<compile_context>
chip_gen: v7x
topology: tpu7x:2x2x1
jax: 0.10.2.dev20260603
libtpu: 0.0.44.dev20260713+nightly
codegen_flags: <defaults>
</compile_context>

<pallas_src>
import functools

import jax
import jax.numpy as jnp
from jax.experimental import pallas as pl
from jax.experimental.pallas import tpu as pltpu


def _bdot(a, b):
    return jnp.dot(a.astype(jnp.bfloat16), b.astype(jnp.bfloat16),
                   preferred_element_type=jnp.float32)


def _branch_body(adj_ref, meth_ref, w1_ref, fc1w_ref, w2_ref,
                 b1_ref, b2_ref, fc1b_ref, pool_ref,
                 abf_ref, xb_ref, su_ref, init_ref, *, n, np_, tm, n_tiles):
    t = pl.program_id(1)

    @pl.when(t == 0)
    def _proj():
        xb = meth_ref[0].astype(jnp.bfloat16)
        xb_ref[...] = xb
        init_ref[...] = (
            jnp.dot(xb, fc1w_ref[...].astype(jnp.bfloat16),
                    preferred_element_type=jnp.float32)
            + fc1b_ref[...]
        )

    a_t = adj_ref[0]
    abf_ref[pl.ds(t * tm, tm), :] = a_t
    t1 = jnp.dot(a_t, xb_ref[...], preferred_element_type=jnp.float32)
    su_t = jnp.maximum(
        jnp.dot(t1.astype(jnp.bfloat16), w1_ref[...].astype(jnp.bfloat16),
                preferred_element_type=jnp.float32)
        + b1_ref[...],
        0.0,
    )
    su_ref[pl.ds(t * tm, tm), :] = su_t.astype(jnp.bfloat16)

    @pl.when(t == n_tiles - 1)
    def _pass2():
        su = su_ref[...]
        w2 = w2_ref[...].astype(jnp.bfloat16)
        b2 = b2_ref[...]
        m = None
        for t0 in range(0, np_, tm):
            a2 = abf_ref[t0:t0 + tm, :]
            t2 = jnp.dot(a2, su, preferred_element_type=jnp.float32)
            o = (
                jnp.dot(t2.astype(jnp.bfloat16), w2,
                        preferred_element_type=jnp.float32)
                + init_ref[t0:t0 + tm, :]
                + b2
            )
            if t0 + tm > n:
                rows = t0 + jax.lax.broadcasted_iota(jnp.int32, o.shape, 0)
                o = jnp.where(rows < n, o, -jnp.inf)
            tmax = jnp.max(o, axis=0, keepdims=True)
            m = tmax if m is None else jnp.maximum(m, tmax)
        pool_ref[0] = m


def _branch(adj_p, meth_p, w1, b1, w2, b2, fc1w, fc1b, n):
    bsz, np_, f = meth_p.shape
    h = w1.shape[1]
    c = w2.shape[1]
    tm = 544
    n_tiles = np_ // tm

    pool = pl.pallas_call(
        functools.partial(_branch_body, n=n, np_=np_, tm=tm,
                          n_tiles=n_tiles),
        grid=(bsz, n_tiles),
        in_specs=[
            pl.BlockSpec((1, tm, np_), lambda b, t: (b, t, 0)),
            pl.BlockSpec((1, np_, f), lambda b, t: (b, 0, 0)),
            pl.BlockSpec((f, h), lambda b, t: (0, 0)),
            pl.BlockSpec((f, c), lambda b, t: (0, 0)),
            pl.BlockSpec((h, c), lambda b, t: (0, 0)),
            pl.BlockSpec((1, h), lambda b, t: (0, 0)),
            pl.BlockSpec((1, c), lambda b, t: (0, 0)),
            pl.BlockSpec((1, c), lambda b, t: (0, 0)),
        ],
        out_specs=pl.BlockSpec((1, 1, c), lambda b, t: (b, 0, 0)),
        out_shape=jax.ShapeDtypeStruct((bsz, 1, c), jnp.float32),
        scratch_shapes=[
            pltpu.VMEM((np_, np_), jnp.bfloat16),
            pltpu.VMEM((np_, f), jnp.bfloat16),
            pltpu.VMEM((np_, h), jnp.bfloat16),
            pltpu.VMEM((np_, c), jnp.float32),
        ],
        compiler_params=pltpu.CompilerParams(
            dimension_semantics=("arbitrary", "arbitrary"),
            vmem_limit_bytes=64 * 1024 * 1024,
        ),
    )(adj_p, meth_p, w1, fc1w, w2, b1, b2, fc1b)

    return pool


def _mlp_body(sp_ref, vp_ref, w2a_ref, w2b_ref, b2_ref, w3_ref, b3_ref,
              w4_ref, b4_ref, w5_ref, b5_ref, out_ref):
    d = jnp.maximum(
        _bdot(sp_ref[:, 0, :], w2a_ref[...])
        + _bdot(vp_ref[:, 0, :], w2b_ref[...])
        + b2_ref[...],
        0.0,
    )
    d = jnp.maximum(_bdot(d, w3_ref[...]) + b3_ref[...], 0.0)
    d = jnp.maximum(_bdot(d, w4_ref[...]) + b4_ref[...], 0.0)
    w5 = w5_ref[...].astype(jnp.bfloat16).astype(jnp.float32)
    db = d.astype(jnp.bfloat16).astype(jnp.float32)
    out_ref[...] = jnp.sum(db * w5.T, axis=1, keepdims=True) + b5_ref[...]


def kernel(solute_adj, solute_meth, solvent_meth, solvent_adj_meth,
           conv1_W, conv1_b, conv2_W, conv2_b,
           fc1_W, fc1_b, fc2_W, fc2_b, fc3_W, fc3_b,
           fc4_W, fc4_b, fc5_W, fc5_b):
    b1 = conv1_b.reshape(1, -1)
    b2 = conv2_b.reshape(1, -1)
    fb1 = fc1_b.reshape(1, -1)
    nclass = fc1_W.shape[1]
    n = solute_meth.shape[1]
    np_ = 2176
    pad = np_ - n

    su_adj = jnp.pad(solute_adj.astype(jnp.bfloat16),
                     ((0, 0), (0, pad), (0, pad)))
    sv_adj = jnp.pad(solvent_adj_meth.astype(jnp.bfloat16),
                     ((0, 0), (0, pad), (0, pad)))
    su_meth = jnp.pad(solute_meth, ((0, 0), (0, pad), (0, 0)))
    sv_meth = jnp.pad(solvent_meth, ((0, 0), (0, pad), (0, 0)))

    su_pool = _branch(su_adj, su_meth, conv1_W, b1, conv2_W, b2,
                      fc1_W, fb1, n)
    sv_pool = _branch(sv_adj, sv_meth, conv1_W, b1, conv2_W,
                      b2, fc1_W, fb1, n)

    bsz = su_pool.shape[0]
    out = pl.pallas_call(
        _mlp_body,
        out_shape=jax.ShapeDtypeStruct((bsz, 1), jnp.float32),
    )(su_pool, sv_pool,
      fc2_W[:nclass], fc2_W[nclass:], fc2_b.reshape(1, -1),
      fc3_W, fc3_b.reshape(1, -1),
      fc4_W, fc4_b.reshape(1, -1),
      fc5_W, fc5_b.reshape(1, -1))
    return out

# --- scband reference (transcript-rebuilt; emitter-appended) ---
"""Pipeline reference for scband-my-val-model-25890062860854 (READ-ONLY COPY).

The authoritative reference and input builder live on the scoring server;
editing this copy changes nothing except your own understanding.
"""

import jax, jax.numpy as jnp
import numpy as np

B = 4
N_SOLUTE = 2076
N_SOLVENT = 2076
NFEAT = 128
NHID = 128
NCLASS = 64


def setup_inputs(seed: int = 0) -> dict:
    key = jax.random.key(seed)
    ks = jax.random.split(key, 24)

    def lin_w(k, fan_in, fan_out):
        return (0.02 * jax.random.normal(k, (fan_in, fan_out))).astype(jnp.float32)

    inp = {}
    inp["solute_adj"] = jax.random.uniform(ks[0], (B, N_SOLUTE, N_SOLUTE), dtype=jnp.float32)
    inp["solute_meth"] = jax.random.normal(ks[1], (B, N_SOLUTE, NFEAT), dtype=jnp.float32)
    inp["solvent_meth"] = jax.random.normal(ks[2], (B, N_SOLVENT, NFEAT), dtype=jnp.float32)
    inp["solvent_adj_meth"] = jax.random.uniform(ks[3], (B, N_SOLVENT, N_SOLVENT), dtype=jnp.float32)
    # GCNConv conv1: nfeat -> nhid ; conv2: nhid -> nclass (dense-adjacency GCN: adj @ x @ W + b)
    inp["conv1_W"] = lin_w(ks[4], NFEAT, NHID)
    inp["conv1_b"] = jnp.zeros((NHID,), jnp.float32)
    inp["conv2_W"] = lin_w(ks[5], NHID, NCLASS)
    inp["conv2_b"] = jnp.zeros((NCLASS,), jnp.float32)
    # fc layers
    inp["fc1_W"] = lin_w(ks[6], NFEAT, NCLASS)
    inp["fc1_b"] = jnp.zeros((NCLASS,), jnp.float32)
    inp["fc2_W"] = lin_w(ks[7], 2 * NCLASS, NCLASS)
    inp["fc2_b"] = jnp.zeros((NCLASS,), jnp.float32)
    inp["fc3_W"] = lin_w(ks[8], NCLASS, 64)
    inp["fc3_b"] = jnp.zeros((64,), jnp.float32)
    inp["fc4_W"] = lin_w(ks[9], 64, 32)
    inp["fc4_b"] = jnp.zeros((32,), jnp.float32)
    inp["fc5_W"] = lin_w(ks[10], 32, 1)
    inp["fc5_b"] = jnp.zeros((1,), jnp.float32)
    return inp


def _gcn(x, adj, W, b):
    # dense GCN layer: (adj @ x) @ W + b, batched over leading dim
    return jnp.einsum("bij,bjf->bif", adj, x) @ W + b


def reference(solute_adj, solute_meth, solvent_meth, solvent_adj_meth,
              conv1_W, conv1_b, conv2_W, conv2_b,
              fc1_W, fc1_b, fc2_W, fc2_b, fc3_W, fc3_b,
              fc4_W, fc4_b, fc5_W, fc5_b):
    nclass = fc1_W.shape[1]
    bsz = solute_meth.shape[0]

    # solute branch
    init_solute = solute_meth @ fc1_W + fc1_b
    su = jax.nn.relu(_gcn(solute_meth, solute_adj, conv1_W, conv1_b))
    su = _gcn(su, solute_adj, conv2_W, conv2_b) + init_solute

    # solvent branch (shared conv weights, as in the torch module)
    init_solvent = solvent_meth @ fc1_W + fc1_b
    sv = jax.nn.relu(_gcn(solvent_meth, solvent_adj_meth, conv1_W, conv1_b))
    sv = _gcn(sv, solvent_adj_meth, conv2_W, conv2_b) + init_solvent

    len_solute = su.shape[1]
    len_solvent = sv.shape[1]
    su_flat = su.reshape(-1, nclass)
    sv_flat = sv.reshape(-1, nclass)

    # gmp: global max pool by graph-id segments (faithful to get_graph_pool_batch)
    su_batch = jnp.repeat(jnp.arange(bsz), len_solute)
    sv_batch = jnp.repeat(jnp.arange(bsz), len_solvent)
    su_pool = jax.ops.segment_max(su_flat, su_batch, num_segments=bsz)
    sv_pool = jax.ops.segment_max(sv_flat, sv_batch, num_segments=bsz)

    data = jnp.concatenate([su_pool, sv_pool], axis=1)
    # dropout p=0.0 -> identity
    data = jax.nn.relu(data @ fc2_W + fc2_b)
    data = jax.nn.relu(data @ fc3_W + fc3_b)
    data = jax.nn.relu(data @ fc4_W + fc4_b)
    data = data @ fc5_W + fc5_b
    return data

if __name__ == "__main__":
    import jax
    _d = setup_inputs()
    print(jax.jit(kernel)(*tuple(_d.values())))

</pallas_src>

<mosaic_0001>
module attributes {stable_mosaic.version = 14 : i64} {
  func.func @_branch_body(%arg0: i32, %arg1: i32, %arg2: memref<1x544x2176xbf16, #tpu.memory_space<vmem>>, %arg3: memref<1x2176x128xf32, #tpu.memory_space<vmem>>, %arg4: memref<128x128xf32, #tpu.memory_space<vmem>>, %arg5: memref<128x64xf32, #tpu.memory_space<vmem>>, %arg6: memref<128x64xf32, #tpu.memory_space<vmem>>, %arg7: memref<1x128xf32, #tpu.memory_space<vmem>>, %arg8: memref<1x64xf32, #tpu.memory_space<vmem>>, %arg9: memref<1x64xf32, #tpu.memory_space<vmem>>, %arg10: memref<1x1x64xf32, #tpu.memory_space<vmem>>, %arg11: memref<2176x2176xbf16, #tpu.memory_space<vmem>>, %arg12: memref<2176x128xbf16, #tpu.memory_space<vmem>>, %arg13: memref<2176x128xbf16, #tpu.memory_space<vmem>>, %arg14: memref<2176x64xf32, #tpu.memory_space<vmem>>) attributes {dimension_semantics = [#tpu.dimension_semantics<arbitrary>, #tpu.dimension_semantics<arbitrary>], iteration_bounds = array<i64: 4, 4>, scalar_prefetch = 0 : i64, scratch_operands = 4 : i64, tpu.core_type = #tpu.core_type<tc>, window_params = [{transform_indices = @transform_0, window_bounds = array<i64: 1, 544, 2176>}, {transform_indices = @transform_1, window_bounds = array<i64: 1, 2176, 128>}, {pipeline_mode = #tpu.pipeline_mode<synchronous>, transform_indices = @transform_2, window_bounds = array<i64: 128, 128>}, {pipeline_mode = #tpu.pipeline_mode<synchronous>, transform_indices = @transform_3, window_bounds = array<i64: 128, 64>}, {pipeline_mode = #tpu.pipeline_mode<synchronous>, transform_indices = @transform_4, window_bounds = array<i64: 128, 64>}, {pipeline_mode = #tpu.pipeline_mode<synchronous>, transform_indices = @transform_5, window_bounds = array<i64: 1, 128>}, {pipeline_mode = #tpu.pipeline_mode<synchronous>, transform_indices = @transform_6, window_bounds = array<i64: 1, 64>}, {pipeline_mode = #tpu.pipeline_mode<synchronous>, transform_indices = @transform_7, window_bounds = array<i64: 1, 64>}, {transform_indices = @transform_8, window_bounds = array<i64: 1, 1, 64>}]} {
    %eq3A = arith.constant 0 : i32
    %eq3A_0 = arith.cmpi eq, %arg1, %eq3A : i32
    %convert_element_type3A = arith.extui %eq3A_0 : i1 to i32
    %cond3A = arith.constant 0 : i32
    %cond3A_1 = arith.cmpi ne, %convert_element_type3A, %cond3A : i32
    scf.if %cond3A_1 {
      %get3A_37 = arith.constant 0 : index
      %get3A_38 = arith.constant 0 : index
      %get3A_39 = arith.constant 0 : index
      %get3A_40 = vector.load %arg3[%get3A_37, %get3A_38, %get3A_39] : memref<1x2176x128xf32, #tpu.memory_space<vmem>>, vector<1x2176x128xf32>
      %get3A_41 = vector.shape_cast %get3A_40 : vector<1x2176x128xf32> to vector<2176x128xf32>
      %convert_element_type3A_42 = arith.truncf %get3A_41 : vector<2176x128xf32> to vector<2176x128xbf16>
      %swap3A_43 = arith.constant 0 : index
      %swap3A_44 = arith.constant 0 : index
      %swap3A_45 = vector.load %arg12[%swap3A_43, %swap3A_44] : memref<2176x128xbf16, #tpu.memory_space<vmem>>, vector<2176x128xbf16>
      tpu.vector_store %arg12[%swap3A_43, %swap3A_44], %convert_element_type3A_42 {strides = array<i32>} : memref<2176x128xbf16, #tpu.memory_space<vmem>>, vector<2176x128xbf16>,
      %get3A_46 = arith.constant 0 : index
      %get3A_47 = arith.constant 0 : index
      %get3A_48 = vector.load %arg5[%get3A_46, %get3A_47] : memref<128x64xf32, #tpu.memory_space<vmem>>, vector<128x64xf32>
      %convert_element_type3A_49 = arith.truncf %get3A_48 : vector<128x64xf32> to vector<128x64xbf16>
      %dot_general3A_50 = arith.constant dense<0.000000e+00> : vector<2176x64xf32>
      %dot_general3A_51 = tpu.matmul %convert_element_type3A_42, %convert_element_type3A_49, %dot_general3A_50 {dimension_numbers = #tpu.dot_dimension_numbers<[1], [0], [0], [1], [0, 0, 1, 1], [], []>, transpose_lhs_hint = false} : vector<2176x128xbf16>, vector<128x64xbf16>, vector<2176x64xf32> -> vector<2176x64xf32>
      %get3A_52 = arith.constant 0 : index
      %get3A_53 = arith.constant 0 : index
      %get3A_54 = vector.load %arg9[%get3A_52, %get3A_53] : memref<1x64xf32, #tpu.memory_space<vmem>>, vector<1x64xf32>
      %add3A_55 = vector.broadcast %get3A_54 : vector<1x64xf32> to vector<2176x64xf32>
      %add3A_56 = arith.addf %dot_general3A_51, %add3A_55 : vector<2176x64xf32>
      %swap3A_57 = arith.constant 0 : index
      %swap3A_58 = arith.constant 0 : index
      %swap3A_59 = vector.load %arg14[%swap3A_57, %swap3A_58] : memref<2176x64xf32, #tpu.memory_space<vmem>>, vector<2176x64xf32>
      tpu.vector_store %arg14[%swap3A_57, %swap3A_58], %add3A_56 {strides = array<i32>} : memref<2176x64xf32, #tpu.memory_space<vmem>>, vector<2176x64xf32>,
    } else {
    }
    %get3A = arith.constant 0 : index
    %get3A_2 = arith.constant 0 : index
    %get3A_3 = arith.constant 0 : index
    %get3A_4 = vector.load %arg2[%get3A, %get3A_2, %get3A_3] : memref<1x544x2176xbf16, #tpu.memory_space<vmem>>, vector<1x544x2176xbf16>
    %get3A_5 = vector.shape_cast %get3A_4 : vector<1x544x2176xbf16> to vector<544x2176xbf16>
    %mul3A = arith.constant 544 : i32
    %mul3A_6 = arith.muli %arg1, %mul3A : i32
    %swap3A = arith.index_cast %mul3A_6 : i32 to index
    %swap3A_7 = arith.constant 0 : index
    %swap3A_8 = vector.load %arg11[%swap3A, %swap3A_7] : memref<2176x2176xbf16, #tpu.memory_space<vmem>>, vector<544x2176xbf16>
    tpu.vector_store %arg11[%swap3A, %swap3A_7], %get3A_5 {strides = array<i32>} : memref<2176x2176xbf16, #tpu.memory_space<vmem>>, vector<544x2176xbf16>,
    %get3A_9 = arith.constant 0 : index
    %get3A_10 = arith.constant 0 : index
    %get3A_11 = vector.load %arg12[%get3A_9, %get3A_10] : memref<2176x128xbf16, #tpu.memory_space<vmem>>, vector<2176x128xbf16>
    %dot_general3A = arith.constant dense<0.000000e+00> : vector<544x128xf32>
    %dot_general3A_12 = tpu.matmul %get3A_5, %get3A_11, %dot_general3A {dimension_numbers = #tpu.dot_dimension_numbers<[1], [0], [0], [1], [0, 0, 1, 1], [], []>, transpose_lhs_hint = false} : vector<544x2176xbf16>, vector<2176x128xbf16>, vector<544x128xf32> -> vector<544x128xf32>
    %convert_element_type3A_13 = arith.truncf %dot_general3A_12 : vector<544x128xf32> to vector<544x128xbf16>
    %get3A_14 = arith.constant 0 : index
    %get3A_15 = arith.constant 0 : index
    %get3A_16 = vector.load %arg4[%get3A_14, %get3A_15] : memref<128x128xf32, #tpu.memory_space<vmem>>, vector<128x128xf32>
    %convert_element_type3A_17 = arith.truncf %get3A_16 : vector<128x128xf32> to vector<128x128xbf16>
    %dot_general3A_18 = arith.constant dense<0.000000e+00> : vector<544x128xf32>
    %dot_general3A_19 = tpu.matmul %convert_element_type3A_13, %convert_element_type3A_17, %dot_general3A_18 {dimension_numbers = #tpu.dot_dimension_numbers<[1], [0], [0], [1], [0, 0, 1, 1], [], []>, transpose_lhs_hint = false} : vector<544x128xbf16>, vector<128x128xbf16>, vector<544x128xf32> -> vector<544x128xf32>
    %get3A_20 = arith.constant 0 : index
    %get3A_21 = arith.constant 0 : index
    %get3A_22 = vector.load %arg7[%get3A_20, %get3A_21] : memref<1x128xf32, #tpu.memory_space<vmem>>, vector<1x128xf32>
    %add3A = vector.broadcast %get3A_22 : vector<1x128xf32> to vector<544x128xf32>
    %add3A_23 = arith.addf %dot_general3A_19, %add3A : vector<544x128xf32>
    %max3A = arith.constant 0.000000e+00 : f32
    %max3A_24 = vector.broadcast %max3A : f32 to vector<544x128xf32>
    %max3A_25 = arith.maximumf %add3A_23, %max3A_24 : vector<544x128xf32>
    %convert_element_type3A_26 = arith.truncf %max3A_25 : vector<544x128xf32> to vector<544x128xbf16>
    %mul3A_27 = arith.constant 544 : i32
    %mul3A_28 = arith.muli %arg1, %mul3A_27 : i32
    %swap3A_29 = arith.index_cast %mul3A_28 : i32 to index
    %swap3A_30 = arith.constant 0 : index
    %swap3A_31 = vector.load %arg13[%swap3A_29, %swap3A_30] : memref<2176x128xbf16, #tpu.memory_space<vmem>>, vector<544x128xbf16>
    tpu.vector_store %arg13[%swap3A_29, %swap3A_30], %convert_element_type3A_26 {strides = array<i32>} : memref<2176x128xbf16, #tpu.memory_space<vmem>>, vector<544x128xbf16>,
    %eq3A_32 = arith.constant 3 : i32
    %eq3A_33 = arith.cmpi eq, %arg1, %eq3A_32 : i32
    %convert_element_type3A_34 = arith.extui %eq3A_33 : i1 to i32
    %cond3A_35 = arith.constant 0 : i32
    %cond3A_36 = arith.cmpi ne, %convert_element_type3A_34, %cond3A_35 : i32
    scf.if %cond3A_36 {
      %get3A_37 = arith.constant 0 : index
      %get3A_38 = arith.constant 0 : index
      %get3A_39 = vector.load %arg13[%get3A_37, %get3A_38] : memref<2176x128xbf16, #tpu.memory_space<vmem>>, vector<2176x128xbf16>
      %get3A_40 = arith.constant 0 : index
      %get3A_41 = arith.constant 0 : index
      %get3A_42 = vector.load %arg6[%get3A_40, %get3A_41] : memref<128x64xf32, #tpu.memory_space<vmem>>, vector<128x64xf32>
      %convert_element_type3A_43 = arith.truncf %get3A_42 : vector<128x64xf32> to vector<128x64xbf16>
      %get3A_44 = arith.constant 0 : index
      %get3A_45 = arith.constant 0 : index
      %get3A_46 = vector.load %arg8[%get3A_44, %get3A_45] : memref<1x64xf32, #tpu.memory_space<vmem>>, vector<1x64xf32>
      %get3A_47 = arith.constant 0 : index
      %get3A_48 = arith.constant 0 : index
      %get3A_49 = vector.load %arg11[%get3A_47, %get3A_48] : memref<2176x2176xbf16, #tpu.memory_space<vmem>>, vector<544x2176xbf16>
      %dot_general3A_50 = arith.constant dense<0.000000e+00> : vector<544x128xf32>
      %dot_general3A_51 = tpu.matmul %get3A_49, %get3A_39, %dot_general3A_50 {dimension_numbers = #tpu.dot_dimension_numbers<[1], [0], [0], [1], [0, 0, 1, 1], [], []>, transpose_lhs_hint = false} : vector<544x2176xbf16>, vector<2176x128xbf16>, vector<544x128xf32> -> vector<544x128xf32>
      %convert_element_type3A_52 = arith.truncf %dot_general3A_51 : vector<544x128xf32> to vector<544x128xbf16>
      %dot_general3A_53 = arith.constant dense<0.000000e+00> : vector<544x64xf32>
      %dot_general3A_54 = tpu.matmul %convert_element_type3A_52, %convert_element_type3A_43, %dot_general3A_53 {dimension_numbers = #tpu.dot_dimension_numbers<[1], [0], [0], [1], [0, 0, 1, 1], [], []>, transpose_lhs_hint = false} : vector<544x128xbf16>, vector<128x64xbf16>, vector<544x64xf32> -> vector<544x64xf32>
      %get3A_55 = arith.constant 0 : index
      %get3A_56 = arith.constant 0 : index
      %get3A_57 = vector.load %arg14[%get3A_55, %get3A_56] : memref<2176x64xf32, #tpu.memory_space<vmem>>, vector<544x64xf32>
      %add3A_58 = arith.addf %dot_general3A_54, %get3A_57 : vector<544x64xf32>
      %add3A_59 = vector.broadcast %get3A_46 : vector<1x64xf32> to vector<544x64xf32>
      %add3A_60 = arith.addf %add3A_58, %add3A_59 : vector<544x64xf32>
      %reduce_max3A = arith.constant dense<0xFF800000> : vector<64xf32>
      %reduce_max3A_61 = vector.multi_reduction <maximumf>, %add3A_60, %reduce_max3A [0] : vector<544x64xf32> to vector<64xf32>
      %broadcast_in_dim3A = vector.shape_cast %reduce_max3A_61 : vector<64xf32> to vector<1x64xf32>
      %get3A_62 = arith.constant 544 : index
      %get3A_63 = arith.constant 0 : index
      %get3A_64 = vector.load %arg11[%get3A_62, %get3A_63] : memref<2176x2176xbf16, #tpu.memory_space<vmem>>, vector<544x2176xbf16>
      %dot_general3A_65 = arith.constant dense<0.000000e+00> : vector<544x128xf32>
      %dot_general3A_66 = tpu.matmul %get3A_64, %get3A_39, %dot_general3A_65 {dimension_numbers = #tpu.dot_dimension_numbers<[1], [0], [0], [1], [0, 0, 1, 1], [], []>, transpose_lhs_hint = false} : vector<544x2176xbf16>, vector<2176x128xbf16>, vector<544x128xf32> -> vector<544x128xf32>
      %convert_element_type3A_67 = arith.truncf %dot_general3A_66 : vector<544x128xf32> to vector<544x128xbf16>
      %dot_general3A_68 = arith.constant dense<0.000000e+00> : vector<544x64xf32>
      %dot_general3A_69 = tpu.matmul %convert_element_type3A_67, %convert_element_type3A_43, %dot_general3A_68 {dimension_numbers = #tpu.dot_dimension_numbers<[1], [0], [0], [1], [0, 0, 1, 1], [], []>, transpose_lhs_hint = false} : vector<544x128xbf16>, vector<128x64xbf16>, vector<544x64xf32> -> vector<544x64xf32>
      %get3A_70 = arith.constant 544 : index
      %get3A_71 = arith.constant 0 : index
      %get3A_72 = vector.load %arg14[%get3A_70, %get3A_71] : memref<2176x64xf32, #tpu.memory_space<vmem>>, vector<544x64xf32>
      %add3A_73 = arith.addf %dot_general3A_69, %get3A_72 : vector<544x64xf32>
      %add3A_74 = vector.broadcast %get3A_46 : vector<1x64xf32> to vector<544x64xf32>
      %add3A_75 = arith.addf %add3A_73, %add3A_74 : vector<544x64xf32>
      %reduce_max3A_76 = arith.constant dense<0xFF800000> : vector<64xf32>
      %reduce_max3A_77 = vector.multi_reduction <maximumf>, %add3A_75, %reduce_max3A_76 [0] : vector<544x64xf32> to vector<64xf32>
      %broadcast_in_dim3A_78 = vector.shape_cast %reduce_max3A_77 : vector<64xf32> to vector<1x64xf32>
      %max3A_79 = arith.maximumf %broadcast_in_dim3A, %broadcast_in_dim3A_78 : vector<1x64xf32>
      %get3A_80 = arith.constant 1088 : index
      %get3A_81 = arith.constant 0 : index
      %get3A_82 = vector.load %arg11[%get3A_80, %get3A_81] : memref<2176x2176xbf16, #tpu.memory_space<vmem>>, vector<544x2176xbf16>
      %dot_general3A_83 = arith.constant dense<0.000000e+00> : vector<544x128xf32>
      %dot_general3A_84 = tpu.matmul %get3A_82, %get3A_39, %dot_general3A_83 {dimension_numbers = #tpu.dot_dimension_numbers<[1], [0], [0], [1], [0, 0, 1, 1], [], []>, transpose_lhs_hint = false} : vector<544x2176xbf16>, vector<2176x128xbf16>, vector<544x128xf32> -> vector<544x128xf32>
      %convert_element_type3A_85 = arith.truncf %dot_general3A_84 : vector<544x128xf32> to vector<544x128xbf16>
      %dot_general3A_86 = arith.constant dense<0.000000e+00> : vector<544x64xf32>
      %dot_general3A_87 = tpu.matmul %convert_element_type3A_85, %convert_element_type3A_43, %dot_general3A_86 {dimension_numbers = #tpu.dot_dimension_numbers<[1], [0], [0], [1], [0, 0, 1, 1], [], []>, transpose_lhs_hint = false} : vector<544x128xbf16>, vector<128x64xbf16>, vector<544x64xf32> -> vector<544x64xf32>
      %get3A_88 = arith.constant 1088 : index
      %get3A_89 = arith.constant 0 : index
      %get3A_90 = vector.load %arg14[%get3A_88, %get3A_89] : memref<2176x64xf32, #tpu.memory_space<vmem>>, vector<544x64xf32>
      %add3A_91 = arith.addf %dot_general3A_87, %get3A_90 : vector<544x64xf32>
      %add3A_92 = vector.broadcast %get3A_46 : vector<1x64xf32> to vector<544x64xf32>
      %add3A_93 = arith.addf %add3A_91, %add3A_92 : vector<544x64xf32>
      %reduce_max3A_94 = arith.constant dense<0xFF800000> : vector<64xf32>
      %reduce_max3A_95 = vector.multi_reduction <maximumf>, %add3A_93, %reduce_max3A_94 [0] : vector<544x64xf32> to vector<64xf32>
      %broadcast_in_dim3A_96 = vector.shape_cast %reduce_max3A_95 : vector<64xf32> to vector<1x64xf32>
      %max3A_97 = arith.maximumf %max3A_79, %broadcast_in_dim3A_96 : vector<1x64xf32>
      %get3A_98 = arith.constant 1632 : index
      %get3A_99 = arith.constant 0 : index
      %get3A_100 = vector.load %arg11[%get3A_98, %get3A_99] : memref<2176x2176xbf16, #tpu.memory_space<vmem>>, vector<544x2176xbf16>
      %dot_general3A_101 = arith.constant dense<0.000000e+00> : vector<544x128xf32>
      %dot_general3A_102 = tpu.matmul %get3A_100, %get3A_39, %dot_general3A_101 {dimension_numbers = #tpu.dot_dimension_numbers<[1], [0], [0], [1], [0, 0, 1, 1], [], []>, transpose_lhs_hint = false} : vector<544x2176xbf16>, vector<2176x128xbf16>, vector<544x128xf32> -> vector<544x128xf32>
      %convert_element_type3A_103 = arith.truncf %dot_general3A_102 : vector<544x128xf32> to vector<544x128xbf16>
      %dot_general3A_104 = arith.constant dense<0.000000e+00> : vector<544x64xf32>
      %dot_general3A_105 = tpu.matmul %convert_element_type3A_103, %convert_element_type3A_43, %dot_general3A_104 {dimension_numbers = #tpu.dot_dimension_numbers<[1], [0], [0], [1], [0, 0, 1, 1], [], []>, transpose_lhs_hint = false} : vector<544x128xbf16>, vector<128x64xbf16>, vector<544x64xf32> -> vector<544x64xf32>
      %get3A_106 = arith.constant 1632 : index
      %get3A_107 = arith.constant 0 : index
      %get3A_108 = vector.load %arg14[%get3A_106, %get3A_107] : memref<2176x64xf32, #tpu.memory_space<vmem>>, vector<544x64xf32>
      %add3A_109 = arith.addf %dot_general3A_105, %get3A_108 : vector<544x64xf32>
      %add3A_110 = vector.broadcast %get3A_46 : vector<1x64xf32> to vector<544x64xf32>
      %add3A_111 = arith.addf %add3A_109, %add3A_110 : vector<544x64xf32>
      %iota3A = tpu.iota {dimensions = array<i32: 0>} : vector<544x64xi32>
      %add3A_112 = arith.constant 1632 : i32
      %add3A_113 = vector.broadcast %add3A_112 : i32 to vector<544x64xi32>
      %add3A_114 = arith.addi %add3A_113, %iota3A : vector<544x64xi32>
      %lt3A = arith.constant 2076 : i32
      %lt3A_115 = vector.broadcast %lt3A : i32 to vector<544x64xi32>
      %lt3A_116 = arith.cmpi slt, %add3A_114, %lt3A_115 : vector<544x64xi32>
      %jit3A = arith.constant 0xFF800000 : f32
      %broadcast_in_dim3A_117 = vector.broadcast %jit3A : f32 to vector<544x64xf32>
      %select_n3A = arith.select %lt3A_116, %add3A_111, %broadcast_in_dim3A_117 : vector<544x64xi1>, vector<544x64xf32>
      %reduce_max3A_118 = arith.constant dense<0xFF800000> : vector<64xf32>
      %reduce_max3A_119 = vector.multi_reduction <maximumf>, %select_n3A, %reduce_max3A_118 [0] : vector<544x64xf32> to vector<64xf32>
      %broadcast_in_dim3A_120 = vector.shape_cast %reduce_max3A_119 : vector<64xf32> to vector<1x64xf32>
      %max3A_121 = arith.maximumf %max3A_97, %broadcast_in_dim3A_120 : vector<1x64xf32>
      %swap3A_122 = arith.constant 0 : index
      %swap3A_123 = arith.constant 0 : index
      %swap3A_124 = arith.constant 0 : index
      %swap3A_125 = vector.load %arg10[%swap3A_122, %swap3A_123, %swap3A_124] : memref<1x1x64xf32, #tpu.memory_space<vmem>>, vector<1x1x64xf32>
      %swap3A_126 = vector.shape_cast %swap3A_125 : vector<1x1x64xf32> to vector<1x64xf32>
      %swap3A_127 = vector.shape_cast %max3A_121 : vector<1x64xf32> to vector<1x1x64xf32>
      tpu.vector_store %arg10[%swap3A_122, %swap3A_123, %swap3A_124], %swap3A_127 {strides = array<i32>} : memref<1x1x64xf32, #tpu.memory_space<vmem>>, vector<1x1x64xf32>,
    } else {
    }
    return
  }
  func.func @transform_0(%arg0: i32, %arg1: i32) -> (i32, i32, i32) {
    %c0_i32 = arith.constant 0 : i32
    %c0_i32_0 = arith.constant 0 : i32
    return %arg0, %arg1, %c0_i32 : i32, i32, i32
  }
  func.func @transform_1(%arg0: i32, %arg1: i32) -> (i32, i32, i32) {
    %c0_i32 = arith.constant 0 : i32
    %c0_i32_0 = arith.constant 0 : i32
    %c0_i32_1 = arith.constant 0 : i32
    return %arg0, %c0_i32, %c0_i32_0 : i32, i32, i32
  }
  func.func @transform_2(%arg0: i32, %arg1: i32) -> (i32, i32) {
    %c0_i32 = arith.constant 0 : i32
    %c0_i32_0 = arith.constant 0 : i32
    %c0_i32_1 = arith.constant 0 : i32
    return %c0_i32, %c0_i32_0 : i32, i32
  }
  func.func @transform_3(%arg0: i32, %arg1: i32) -> (i32, i32) {
    %c0_i32 = arith.constant 0 : i32
    %c0_i32_0 = arith.constant 0 : i32
    %c0_i32_1 = arith.constant 0 : i32
    return %c0_i32, %c0_i32_0 : i32, i32
  }
  func.func @transform_4(%arg0: i32, %arg1: i32) -> (i32, i32) {
    %c0_i32 = arith.constant 0 : i32
    %c0_i32_0 = arith.constant 0 : i32
    %c0_i32_1 = arith.constant 0 : i32
    return %c0_i32, %c0_i32_0 : i32, i32
  }
  func.func @transform_5(%arg0: i32, %arg1: i32) -> (i32, i32) {
    %c0_i32 = arith.constant 0 : i32
    %c0_i32_0 = arith.constant 0 : i32
    %c0_i32_1 = arith.constant 0 : i32
    return %c0_i32, %c0_i32_0 : i32, i32
  }
  func.func @transform_6(%arg0: i32, %arg1: i32) -> (i32, i32) {
    %c0_i32 = arith.constant 0 : i32
    %c0_i32_0 = arith.constant 0 : i32
    %c0_i32_1 = arith.constant 0 : i32
    return %c0_i32, %c0_i32_0 : i32, i32
  }
  func.func @transform_7(%arg0: i32, %arg1: i32) -> (i32, i32) {
    %c0_i32 = arith.constant 0 : i32
    %c0_i32_0 = arith.constant 0 : i32
    %c0_i32_1 = arith.constant 0 : i32
    return %c0_i32, %c0_i32_0 : i32, i32
  }
  func.func @transform_8(%arg0: i32, %arg1: i32) -> (i32, i32, i32) {
    %c0_i32 = arith.constant 0 : i32
    %c0_i32_0 = arith.constant 0 : i32
    %c0_i32_1 = arith.constant 0 : i32
    return %arg0, %c0_i32, %c0_i32_0 : i32, i32, i32
  }
}

module attributes {stable_mosaic.version = 14 : i64} {
  func.func @_mlp_body(%arg0: memref<4x1x64xf32, #tpu.memory_space<vmem>>, %arg1: memref<4x1x64xf32, #tpu.memory_space<vmem>>, %arg2: memref<64x64xf32, #tpu.memory_space<vmem>>, %arg3: memref<64x64xf32, #tpu.memory_space<vmem>>, %arg4: memref<1x64xf32, #tpu.memory_space<vmem>>, %arg5: memref<64x64xf32, #tpu.memory_space<vmem>>, %arg6: memref<1x64xf32, #tpu.memory_space<vmem>>, %arg7: memref<64x32xf32, #tpu.memory_space<vmem>>, %arg8: memref<1x32xf32, #tpu.memory_space<vmem>>, %arg9: memref<32x1xf32, #tpu.memory_space<vmem>>, %arg10: memref<1x1xf32, #tpu.memory_space<vmem>>, %arg11: memref<4x1xf32, #tpu.memory_space<vmem>>) attributes {dimension_semantics = [], scalar_prefetch = 0 : i64, scratch_operands = 0 : i64, tpu.core_type = #tpu.core_type<tc>} {
    %get3A = arith.constant 0 : index
    %get3A_0 = arith.constant 0 : index
    %get3A_1 = arith.constant 0 : index
    %get3A_2 = vector.load %arg0[%get3A, %get3A_0, %get3A_1] : memref<4x1x64xf32, #tpu.memory_space<vmem>>, vector<4x1x64xf32>
    %get3A_3 = vector.shape_cast %get3A_2 : vector<4x1x64xf32> to vector<4x64xf32>
    %get3A_4 = arith.constant 0 : index
    %get3A_5 = arith.constant 0 : index
    %get3A_6 = vector.load %arg2[%get3A_4, %get3A_5] : memref<64x64xf32, #tpu.memory_space<vmem>>, vector<64x64xf32>
    %convert_element_type3A = arith.truncf %get3A_3 : vector<4x64xf32> to vector<4x64xbf16>
    %convert_element_type3A_7 = arith.truncf %get3A_6 : vector<64x64xf32> to vector<64x64xbf16>
    %dot_general3A = arith.constant dense<0.000000e+00> : vector<4x64xf32>
    %dot_general3A_8 = tpu.matmul %convert_element_type3A, %convert_element_type3A_7, %dot_general3A {dimension_numbers = #tpu.dot_dimension_numbers<[1], [0], [0], [1], [0, 0, 1, 1], [], []>, transpose_lhs_hint = false} : vector<4x64xbf16>, vector<64x64xbf16>, vector<4x64xf32> -> vector<4x64xf32>
    %get3A_9 = arith.constant 0 : index
    %get3A_10 = arith.constant 0 : index
    %get3A_11 = arith.constant 0 : index
    %get3A_12 = vector.load %arg1[%get3A_9, %get3A_10, %get3A_11] : memref<4x1x64xf32, #tpu.memory_space<vmem>>, vector<4x1x64xf32>
    %get3A_13 = vector.shape_cast %get3A_12 : vector<4x1x64xf32> to vector<4x64xf32>
    %get3A_14 = arith.constant 0 : index
    %get3A_15 = arith.constant 0 : index
    %get3A_16 = vector.load %arg3[%get3A_14, %get3A_15] : memref<64x64xf32, #tpu.memory_space<vmem>>, vector<64x64xf32>
    %convert_element_type3A_17 = arith.truncf %get3A_13 : vector<4x64xf32> to vector<4x64xbf16>
    %convert_element_type3A_18 = arith.truncf %get3A_16 : vector<64x64xf32> to vector<64x64xbf16>
    %dot_general3A_19 = arith.constant dense<0.000000e+00> : vector<4x64xf32>
    %dot_general3A_20 = tpu.matmul %convert_element_type3A_17, %convert_element_type3A_18, %dot_general3A_19 {dimension_numbers = #tpu.dot_dimension_numbers<[1], [0], [0], [1], [0, 0, 1, 1], [], []>, transpose_lhs_hint = false} : vector<4x64xbf16>, vector<64x64xbf16>, vector<4x64xf32> -> vector<4x64xf32>
    %add3A = arith.addf %dot_general3A_8, %dot_general3A_20 : vector<4x64xf32>
    %get3A_21 = arith.constant 0 : index
    %get3A_22 = arith.constant 0 : index
    %get3A_23 = vector.load %arg4[%get3A_21, %get3A_22] : memref<1x64xf32, #tpu.memory_space<vmem>>, vector<1x64xf32>
    %add3A_24 = vector.broadcast %get3A_23 : vector<1x64xf32> to vector<4x64xf32>
    %add3A_25 = arith.addf %add3A, %add3A_24 : vector<4x64xf32>
    %max3A = arith.constant 0.000000e+00 : f32
    %max3A_26 = vector.broadcast %max3A : f32 to vector<4x64xf32>
    %max3A_27 = arith.maximumf %add3A_25, %max3A_26 : vector<4x64xf32>
    %get3A_28 = arith.constant 0 : index
    %get3A_29 = arith.constant 0 : index
    %get3A_30 = vector.load %arg5[%get3A_28, %get3A_29] : memref<64x64xf32, #tpu.memory_space<vmem>>, vector<64x64xf32>
    %convert_element_type3A_31 = arith.truncf %max3A_27 : vector<4x64xf32> to vector<4x64xbf16>
    %convert_element_type3A_32 = arith.truncf %get3A_30 : vector<64x64xf32> to vector<64x64xbf16>
    %dot_general3A_33 = arith.constant dense<0.000000e+00> : vector<4x64xf32>
    %dot_general3A_34 = tpu.matmul %convert_element_type3A_31, %convert_element_type3A_32, %dot_general3A_33 {dimension_numbers = #tpu.dot_dimension_numbers<[1], [0], [0], [1], [0, 0, 1, 1], [], []>, transpose_lhs_hint = false} : vector<4x64xbf16>, vector<64x64xbf16>, vector<4x64xf32> -> vector<4x64xf32>
    %get3A_35 = arith.constant 0 : index
    %get3A_36 = arith.constant 0 : index
    %get3A_37 = vector.load %arg6[%get3A_35, %get3A_36] : memref<1x64xf32, #tpu.memory_space<vmem>>, vector<1x64xf32>
    %add3A_38 = vector.broadcast %get3A_37 : vector<1x64xf32> to vector<4x64xf32>
    %add3A_39 = arith.addf %dot_general3A_34, %add3A_38 : vector<4x64xf32>
    %max3A_40 = arith.constant 0.000000e+00 : f32
    %max3A_41 = vector.broadcast %max3A_40 : f32 to vector<4x64xf32>
    %max3A_42 = arith.maximumf %add3A_39, %max3A_41 : vector<4x64xf32>
    %get3A_43 = arith.constant 0 : index
    %get3A_44 = arith.constant 0 : index
    %get3A_45 = vector.load %arg7[%get3A_43, %get3A_44] : memref<64x32xf32, #tpu.memory_space<vmem>>, vector<64x32xf32>
    %convert_element_type3A_46 = arith.truncf %max3A_42 : vector<4x64xf32> to vector<4x64xbf16>
    %convert_element_type3A_47 = arith.truncf %get3A_45 : vector<64x32xf32> to vector<64x32xbf16>
    %dot_general3A_48 = arith.constant dense<0.000000e+00> : vector<4x32xf32>
    %dot_general3A_49 = tpu.matmul %convert_element_type3A_46, %convert_element_type3A_47, %dot_general3A_48 {dimension_numbers = #tpu.dot_dimension_numbers<[1], [0], [0], [1], [0, 0, 1, 1], [], []>, transpose_lhs_hint = false} : vector<4x64xbf16>, vector<64x32xbf16>, vector<4x32xf32> -> vector<4x32xf32>
    %get3A_50 = arith.constant 0 : index
    %get3A_51 = arith.constant 0 : index
    %get3A_52 = vector.load %arg8[%get3A_50, %get3A_51] : memref<1x32xf32, #tpu.memory_space<vmem>>, vector<1x32xf32>
    %add3A_53 = vector.broadcast %get3A_52 : vector<1x32xf32> to vector<4x32xf32>
    %add3A_54 = arith.addf %dot_general3A_49, %add3A_53 : vector<4x32xf32>
    %max3A_55 = arith.constant 0.000000e+00 : f32
    %max3A_56 = vector.broadcast %max3A_55 : f32 to vector<4x32xf32>
    %max3A_57 = arith.maximumf %add3A_54, %max3A_56 : vector<4x32xf32>
    %get3A_58 = arith.constant 0 : index
    %get3A_59 = arith.constant 0 : index
    %get3A_60 = vector.load %arg9[%get3A_58, %get3A_59] : memref<32x1xf32, #tpu.memory_space<vmem>>, vector<32x1xf32>
    %convert_element_type3A_61 = arith.truncf %get3A_60 : vector<32x1xf32> to vector<32x1xbf16>
    %convert_element_type3A_62 = arith.extf %convert_element_type3A_61 : vector<32x1xbf16> to vector<32x1xf32>
    %convert_element_type3A_63 = arith.truncf %max3A_57 : vector<4x32xf32> to vector<4x32xbf16>
    %convert_element_type3A_64 = arith.extf %convert_element_type3A_63 : vector<4x32xbf16> to vector<4x32xf32>
    %transpose3A = tpu.transpose %convert_element_type3A_62, [1, 0] : vector<32x1xf32> -> vector<1x32xf32>
    %mul3A = vector.broadcast %transpose3A : vector<1x32xf32> to vector<4x32xf32>
    %mul3A_65 = arith.mulf %convert_element_type3A_64, %mul3A : vector<4x32xf32>
    %reduce_sum3A = arith.constant dense<0.000000e+00> : vector<4xf32>
    %reduce_sum3A_66 = vector.multi_reduction <add>, %mul3A_65, %reduce_sum3A [1] : vector<4x32xf32> to vector<4xf32>
    %broadcast_in_dim3A = vector.shape_cast %reduce_sum3A_66 : vector<4xf32> to vector<4x1xf32>
    %get3A_67 = arith.constant 0 : index
    %get3A_68 = arith.constant 0 : index
    %get3A_69 = vector.load %arg10[%get3A_67, %get3A_68] : memref<1x1xf32, #tpu.memory_space<vmem>>, vector<1x1xf32>
    %add3A_70 = vector.broadcast %get3A_69 : vector<1x1xf32> to vector<4x1xf32>
    %add3A_71 = arith.addf %broadcast_in_dim3A, %add3A_70 : vector<4x1xf32>
    %swap3A = arith.constant 0 : index
    %swap3A_72 = arith.constant 0 : index
    %swap3A_73 = vector.load %arg11[%swap3A, %swap3A_72] : memref<4x1xf32, #tpu.memory_space<vmem>>, vector<4x1xf32>
    tpu.vector_store %arg11[%swap3A, %swap3A_72], %add3A_71 {strides = array<i32>} : memref<4x1xf32, #tpu.memory_space<vmem>>, vector<4x1xf32>,
    return
  }
}

</mosaic_0001>

<sc_bundles>
// kernel: sparse-core-data-format-call.1.cloned.1.call-start
scs
called_computation.1_lowered:
.L_overlay_start_0:
0x0: {  	s1 =	sld [smem:$0x3FD9]  }
0x1: {  	s2 =	sld [smem:$0x3FFE];
	_ =	sdelay $0x1  }
0x2: {  	s3 =	srdreg.scid  }
0x3: {  	s0 =	sand.u32 $0x1, s3  }
0x4: {  	s17 =	sshll.u32 s0, $0xA;
	s1 =	sadd.s32 s2, s1  }
0x5: {  	s1 =	sadd.s32 s1, s17  }
0x6: {  	[smem:$0x3FB6] =	sst s1  }
0x7: {  	_ = 	snop  }
0x8: {  	(tm) =	ssettm $0x1  }
0x9: {  	s18 =	sld [smem:$0x3FFB];
	_ =	sdelay $0x3  }
0xa: {  	_ =	strace s18  }
0xb: {  	s1 =	sld [smem:$0x3FFC];
	_ =	sdelay $0x3  }
0xc: {  	_ =	strace s1  }
0xd: {  	s1 =	sld [smem:$0x3FFD];
	_ =	sdelay $0x3  }
0xe: {  	_ =	strace s1  }
0xf: {  	_ =	strace $0x8FFFFFFF  }
0x10: {  	s19 =	sld [smem:$0x3FDB];
	_ =	sdelay $0x1  }
0x11: {  	s20 =	simm.s32 $_scs_section_size  }
0x12: {  	s4 =	simm.s32 $_size__tile_overlayer_lowered;
	s5 =	simm.s32 $_tile_overlayer_lowered  }
0x13: {  	s23 =	simm.s32 $0x1BFF;
	s22 =	sshll.u32 s5, $0x1;
	s1 =	sadd.s32 s20, s19  }
0x14: {  	s6 =	simm.s32 $0x0;
	s21 =	sshll.u32 s4, $0x1;
	s4 =	sadd.s32 s22, s1  }
0x15: {  	[timem:s6], [sflag:s23] =	dma.local [hbm:s4], s21  }
0x16: {  	_ =	swait.ge [sflag:s23], s21  }
0x17: {  	s2 =	ssub.s32 $0x0, s21;
	[sflag:s23] =	ssyncset.done $0x0  }
0x18: {  	[sflag:s23] =	ssyncadd.s32 s2;
	_ =	sdelay $0x1  }
0x19: {  	s24 =	simm.s32 $0x1B8B  }
0x1a: {  	_ =	swait.ge [sflag:s24], $0x1  }
0x1b: {  	[sflag:s24] =	ssyncset.done $0x0  }
0x1c: {  	s26 =	simm.s32 $0x1B8E;
	s25 =	sld [smem:$0x3FFE];
	[sflag:s24] =	ssyncadd.s32 $0xFFFFFFFF  }
0x1d: {  	s27 =	simm.s32 $execute0_lowered;
	[smem:$0x3FD2] =	sst s26  }
0x1e: {  	s4 =	sshll.u32 s27, $0x1;
	_ =	strace $0x80000046;
	[dreg:$0x1] =	wrdreg $0xFFFFFFFF  }
0x1f: {  	s28 =	simm.s32 $_size_execute0_lowered;
	s1 =	sadd.s32 s1, s4;
	[dreg:$0x0] =	wrdreg $0x0  }
0x20: {  	s4 =	sshll.u32 s28, $0x1;
	[dreg:$0x2] =	wrdreg s1  }
0x21: {  	[dreg:$0x3] =	wrdreg s4  }
0x22: {  	[dreg:$0x4] =	wrdreg $0xC0  }
0x23: {  	_ =	task [dreg:s6], $0x5FFFF  }
0x24: {  	[dreg:$0x1] =	wrdreg $0xFFFFFFFF  }
0x25: {  	[dreg:$0x0] =	wrdreg $0x60  }
0x26: {  	[dreg:$0x2] =	wrdreg s25  }
0x27: {  	[dreg:$0x3] =	wrdreg $0xA  }
0x28: {  	_ =	task.clear_ibuf [dreg:s6], $0x4FFFF;
	_ =	strace $0x90000046  }
0x29: {  	s29 =	simm.s32 $0xA;
	_ =	strace $0x80000048  }
0x2a: {  	_ =	swait.ge [sflag:s29], $0x1  }
0x2b: {  	[sflag:s29] =	ssyncadd.s32 $0xFFFFFFFF  }
0x2c: {  	_ =	strace $0x90000048  }
0x2d: {  	_ =	sfence  }
0x2e: {  	s30 =	sld [smem:$0x0];
	_ =	sdelay $0x2  }
0x2f: {  	s31 =	sshll.u32 s3, $0xD;
	s3 =	sshrl.u32 s3, $0x2  }
0x30: {  	s2 =	sand.u32 $0x4000, s31;
	s1 =	sadd.s32 s3, s30  }
0x31: {  	s0 =	sor.u32 s2, s0;
	s1 =	sshll.u32 s1, $0x11  }
0x32: {  	s0 =	sor.u32 s1, s0  }
0x33: {  	s0 =	sadd.s32 $0x8F2B, s0  }
0x34: {  	[sflag:s0] =	ssyncadd.remote.s32 $0x1  }
0x35: {  	_ =	sfence.sel $0xFFFF  }
0x36: {  	[dreg:$0x0] =	wrdreg $0xFFFFFFFF;
	(pc) =	sbr.abs _section_cstart, $3  }
0x37: {  	[dreg:$0x1] =	wrdreg $0xFFFFFFFF  }
0x38: {  	_ =	task.clear_ibuf [dreg:s6], $0x2FFFF;
	_ =	strace $0x9FFFFFFF  }
0x39: {  	(tm) =	ssettm $0x7FFFFFFF  }
tec
execute0_lowered:
.L_overlay_start_1:
0x0: {  	(tag) =	ssettag $0x1  }
0x1: {  	s0 =	srdreg.scid;
	s10 =	rddreg [dreg:$0x0]  }
0x2: {  	s3 =	simm.s32 $0x1;
	s6 =	simm.s32 $0x2;
	s17 =	simm.s32 $0x0  }
0x3: {  	s11 =	simm.s32 $0x2200;
	s16 =	simm.s32 $0x0;
	s1 =	sshll.u32 s0, $0x4  }
0x4: {  	s18 =	simm.s32 $0x0;
	s0 =	stileid.u32;
	s1 =	sand.u32 $0x10, s1  }
0x5: {  	s12 =	simm.s32 $0x0;
	s13 =	simm.s32 $0x0;
	s1 =	sor.u32 s0, s1  }
0x6: {  	s15 =	simm.s32 $0x0;
	s5 =	sadd.s32 $0x117400, s10;
	s2 =	sshll.u32 s1, $0x5  }
.Ltmp0:
0x7: {  	s8 =	sadd.s32 $0x15C500, s10;
	s4 =	ssub.s32 $0x800, s2;
	(pc) =	sbr.rel .LBB1_1-.Ltmp0, $4  }
0x8: {  	s1 =	rddreg [dreg:$0x1];
	_ =	strace $0x80000047;
	s4 =	sshrl.u32 s4, $0xA  }
0x9: {  	s9 =	sadd.s32 $0x1A1600, s10;
	[sflag:s3] =	ssyncpa.u1 $0x0;
	s7 =	smul.u32 $0x11, s4  }
0xa: {  	s14 =	smov.u32 s2;
	[sflag:s6] =	ssyncpa.u1 $0x0;
	s4 =	sadd.s32 $0x3800, s10  }
0xb: {  	s10 =	sadd.s32 $0x1E6700, s10;
	s6 =	sadd.s32 $0x11, s7;
	s7 =	sadd.s32 $0x12, s7  }
.LBB1_7:
0xc: {  	s19 =	sadd.s32 $0x80, s12  }
0xd: {  	s16 =	sadd.s32 $0x4, s13;
	s20 =	smov.u32 s13;
	p1 =	sgt.s32 s19, $0x81B  }
0xe: {  	s20 =	smov.u32 @p1 s16  }
0xf: {  	s22 =	smov.u32 s14;
	s16 =	sadd.s32 $0x400, s14;
	p2 =	sgt.s32 s20, $0x3  }
0x10: {  	s22 =	smov.u32 @p2 s16  }
0x11: {  	s19 =	simm.s32 @p1 $0x0;
	p1 =	sgt.s32 s22, $0x81B  }
0x12: {  	p0 =	slt.u32 s15, $0x2;
	s22 =	smov.u32 @p1 s2;
	p1 =	sne.s32 s15, s7  }
.Ltmp1:
0x13: {  	s21 =	simm.s32 @!p0 $0x2;
	(pc) =	sbr.rel @!p1 .LBB1_8-.Ltmp1, $4  }
0x14: {  	s17 =	smov.u32 s12;
	_ =	swait.ge @!p0 [sflag:s21], $0x2000  }
0x15: {  	s18 =	smov.u32 s14;
	[sflag:s21] =	ssyncset.done @!p0 $0x0;
	s12 =	smov.u32 s19  }
0x16: {  	s20 =	simm.s32 @p2 $0x0;
	s16 =	smov.u32 s13;
	[sflag:s21] =	ssyncadd.s32 @!p0 $0xFFFFE000  }
0x17: {  	s13 =	smov.u32 s20;
	s15 =	sadd.s32 $0x1, s15;
	s14 =	smov.u32 s22  }
.LBB1_1:
0x18: {  	p0 =	sge.u32 s15, s6;
	s23 =	smov.u32 s12  }
0x19: {  	s19 =	sshrl.u32 @!p0 s13, $0x2;
	s20 =	sshll.u32 @!p0 s12, $0x2;
	s21 =	sshll.u32 @!p0 s13, $0x7  }
0x1a: {  	p1 =	sgt.s32 @!p0 s14, $0x7FC;
	s22 =	sshra.s32 @!p0 s14, $0x1F;
	s19 =	smul.u32 @!p0 $0x2200, s19  }
0x1b: {  	s24 =	sshra.s32 @!p0 s12, $0x1F;
	s20 =	sand.u32 @!p0 $0xFFFFFE00, s20;
	p1 =	por !p1, p0  }
0x1c: {  	s19 =	sadd.s32 @!p0 s19, s20;
	s20 =	sand.u32 @!p0 $0x100, s21;
	s21 =	sshll.u32 @!p0 s12, $0x1  }
0x1d: {  	s22 =	sand.u32 @!p0 s22, s14;
	s19 =	sor.u32 @!p0 s20, s19;
	s20 =	sand.u32 @!p0 $0xFE, s21  }
0x1e: {  	s21 =	sand.u32 @!p0 $0x1, s13;
	s19 =	sor.u32 @!p0 s20, s19;
	s20 =	smov.u32 s14  }
0x1f: {  	s20 =	simm.s32 @p1 $0x7FC;
	p1 =	sgt.s32 @!p0 s12, $0x800;
	s21 =	sor.u32 @!p0 s21, s19  }
0x20: {  	s19 =	smulhi.u32 @!p0 $0xF0F0F0F1, s19;
	p1 =	por !p1, p0;
	s20 =	ssub.s32 @!p0 s20, s22  }
0x21: {  	s22 =	sand.u32 @!p0 s24, s12;
	s23 =	simm.s32 @p1 $0x800;
	s24 =	sadd.s32 @!p0 $0xFFFFF804, s20  }
0x22: {  	s20 =	ssub.s32 @!p0 $0x81C, s20;
	s19 =	sshrl.u32 @!p0 s19, $0xB;
	s22 =	ssub.s32 @!p0 s23, s22  }
0x23: {  	p1 =	sgt.s32 @!p0 s24, $0x1F;
	s23 =	ssub.s32 @!p0 $0x0, s13;
	s19 =	sand.u32 @!p0 $0x3, s19  }
0x24: {  	s24 =	sadd.s32 @!p0 $0xFFFFF800, s22;
	s23 =	smin.u32 @!p0 s13, s23;
	p1 =	por !p1, p0  }
0x25: {  	p2 =	sgt.s32 @!p0 s24, $0x7F;
	s24 =	smulhi.u32 @!p0 $0xF0F0F0F1, s21;
	p3 =	sgt.s32 @!p0 s23, $0x3  }
0x26: {  	s20 =	simm.s32 @!p1 $0x0;
	s23 =	ssub.s32 @!p0 $0x4, s23;
	p1 =	por !p3, p0  }
0x27: {  	s22 =	ssub.s32 @!p0 $0x880, s22;
	s19 =	smul.u32 @!p0 $0x88, s19;
	s23 =	simm.s32 @!p1 $0x0  }
0x28: {  	s24 =	sshrl.u32 @!p0 s24, $0xB;
	p1 =	por !p2, p0;
	s20 =	smul.u32 @!p0 s23, s20  }
0x29: {  	s23 =	smul.u32 @!p0 $0x880, s24;
	s22 =	simm.s32 @!p1 $0x0  }
0x2a: {  	s20 =	smul.u32 @!p0 s22, s20  }
0x2b: {  	s24 =	sxor.u32 @!p0 $0xFFFFFFFF, s15;
	s22 =	smul.u32 @!p0 $0x220, s14;
	s21 =	ssub.s32 @!p0 s21, s23  }
0x2c: {  	s23 =	sshrl.u32 @!p0 s21, $0x4;
	s21 =	sshll.u32 @!p0 s21, $0x11;
	s20 =	sshrl.u32 @!p0 s20, $0x1  }
0x2d: {  	s22 =	sadd.s32 @!p0 s4, s22;
	s21 =	sand.u32 @!p0 $0x1C0000, s21;
	s20 =	sand.u32 @!p0 $0x3FFFFFFF, s20  }
0x2e: {  	s19 =	sadd.s32 @!p0 s19, s22;
	s22 =	sshll.u32 @!p0 s24, $0xD;
	s21 =	sor.u32 @!p0 $0x100, s21  }
0x2f: {  	s19 =	sadd.s32 @!p0 s23, s19;
	s22 =	sand.u32 @!p0 $0x2000, s22;
	s23 =	simm.s32 @!p0 $0x1100  }
0x30: {  	[tilespmem:s22], [sflag:$0x1] =	stream.strided.gather @!p0 [hbm4b:s19+s21], s20, s23, s21, $0x38;
	[tilespmem:$0x8000] =	vst v63  }
0x31: {  	p0 =	seq.s32 s15, $0x0  }
0x32: {  	p1 =	sge.u32 @!p0 s15, s7  }
0x33: {  	p0 =	por p0, p1  }
.Ltmp2:
0x34: {  	_ = 	snop;
	(pc) =	sbr.rel @p0 .LBB1_7-.Ltmp2, $1  }
0x35: {  	_ =	sdelay $0x3  }
0x36: {  	p0 =	sgt.s32 s18, $0x7FC  }
0x37: {  	s19 =	smov.u32 s18;
	s20 =	sshra.s32 s18, $0x1F;
	s29 =	ssub.s32 $0x0, s16  }
0x38: {  	p1 =	sgt.s32 s17, $0x800;
	s19 =	simm.s32 @!p0 $0x7FC;
	s20 =	sand.u32 s20, s18  }
0x39: {  	s21 =	smov.u32 s17;
	s22 =	sshra.s32 s17, $0x1F;
	s19 =	ssub.s32 s19, s20  }
0x3a: {  	s21 =	simm.s32 @!p1 $0x800;
	s22 =	sand.u32 s22, s17;
	s20 =	sadd.s32 $0xFFFFF804, s19  }
0x3b: {  	s21 =	ssub.s32 s21, s22;
	p0 =	sgt.s32 s20, $0x1F;
	s20 =	smin.u32 s16, s29  }
0x3c: {  	s19 =	ssub.s32 $0x81C, s19;
	p1 =	sgt.s32 s20, $0x3;
	s20 =	ssub.s32 $0x4, s20  }
0x3d: {  	s22 =	sadd.s32 $0xFFFFF800, s21;
	s19 =	simm.s32 @p0 $0x0;
	s20 =	simm.s32 @p1 $0x0  }
0x3e: {  	p0 =	sgt.s32 s22, $0x7F;
	s19 =	smul.u32 s20, s19;
	s20 =	ssub.s32 $0x880, s21  }
0x3f: {  	s20 =	simm.s32 @p0 $0x0  }
0x40: {  	s19 =	smul.u32 s20, s19;
	_ =	sdelay $0x1  }
0x41: {  	s19 =	sshrl.u32 s19, $0x1  }
0x42: {  	s19 =	sand.u32 $0x3FFFFFFF, s19  }
0x43: {  	s30 =	sshll.u32 s15, $0xD;
	_ =	swait.ge [sflag:s3], s19  }
0x44: {  	s31 =	ssub.s32 $0x0, s19;
	s19 =	sand.u32 $0x2000, s30;
	[sflag:s3] =	ssyncset.done $0x0  }
0x45: {  	s21 =	simm.s32 $0x0;
	s20 =	sor.u32 $0x4000, s19;
	[sflag:s3] =	ssyncadd.s32 s31  }
.LBB1_3:
0x46: {  	s22 =	sshll.u32 s21, $0x8  }
0x47: {  	s23 =	sand.u32 $0x3FFFFF00, s22  }
0x48: {  	s23 =	sadd.s32 s23, s19  }
0x49: {  	s22 =	sshll.u32 s21, $0x7;
	s25 =	sadd.s32 $0x100, s23;
	v0 =	vmov s23  }
0x4a: {  	s24 =	sor.u32 $0x80, s22;
	v1 =	vmov s25  }
0x4b: {  	s24 =	sshrl.u32 s24, $0x1  }
0x4c: {  	p0 =	por $0x1, $0x1;
	s23 =	simm.s32 $0x0;
	v2 =	vmov s24  }
.LBB1_4:
0x4d: {  	s25 =	sshll.u32 s23, $0x6  }
0x4e: {  	v3 =	vld.idx.msk [tilespmem:v0+s25+$0x0 ss:$0x1], $0xffff  }
0x4f: {  	v4 =	vld.idx.msk [tilespmem:v1+s25+$0x0 ss:$0x1], $0xffff  }
0x50: {  	v5 =	vld.idx.msk [tilespmem:v0+s25+$0x10 ss:$0x1], $0xffff  }
0x51: {  	v6 =	vld.idx.msk [tilespmem:v1+s25+$0x10 ss:$0x1], $0xffff  }
0x52: {  	s31 =	sshll.u32 s23, $0xB;
	v7 =	vld.idx.msk [tilespmem:v0+s25+$0x20 ss:$0x1], $0xffff  }
0x53: {  	s23 =	sand.u32 $0x3FFFF800, s31;
	v8 =	vld.idx.msk [tilespmem:v1+s25+$0x20 ss:$0x1], $0xffff  }
0x54: {  	s26 =	sshrl.u32 s22, $0x1;
	v11 =	vld.idx.msk [tilespmem:v0+s25+$0x30 ss:$0x1], $0xffff;
	s23 =	sadd.s32 s23, s20;
	v9 =	vunpack.i.l.s16.s32 v3;
	v10 =	vunpack.i.l.s16.s32 v4  }
0x55: {  	v36 =	vld.idx.msk [tilespmem:v1+s25+$0x30 ss:$0x1], $0xffff;
	s25 =	sor.u32 $0x40, s25;
	s27 =	sadd.s32 s26, s23;
	s24 =	sadd.s32 $0x800, s23;
	v3 =	vunpack.i.u.s16.s32 v3;
	v4 =	vunpack.i.u.s16.s32 v4;
	v9 =	vpack.i.b32.b16 v10, v9  }
0x56: {  	v12 =	vld.idx.msk [tilespmem:v0+s25+$0x0 ss:$0x1], $0xffff;
	s26 =	sadd.s32 s26, s24;
	v37 =	vunpack.i.l.s16.s32 v5;
	v38 =	vunpack.i.l.s16.s32 v6;
	v3 =	vpack.i.b32.b16 v4, v3;
	[tilespmem:s27+$0x0] =	vst v9  }
0x57: {  	v40 =	vld.idx.msk [tilespmem:v1+s25+$0x0 ss:$0x1], $0xffff;
	v39 =	vunpack.i.u.s16.s32 v6;
	v4 =	vpack.i.b32.b16 v38, v37;
	[tilespmem:s26+$0x0] =	vst v3;
	v3 =	vunpack.i.u.s16.s32 v5  }
0x58: {  	v43 =	vld.idx.msk [tilespmem:v0+s25+$0x10 ss:$0x1], $0xffff;
	v41 =	vunpack.i.l.s16.s32 v7;
	v42 =	vunpack.i.l.s16.s32 v8;
	[tilespmem:s27+$0x10] =	vst v4;
	v3 =	vpack.i.b32.b16 v39, v3  }
0x59: {  	v45 =	vld.idx.msk [tilespmem:v1+s25+$0x10 ss:$0x1], $0xffff;
	v44 =	vunpack.i.u.s16.s32 v8;
	v4 =	vpack.i.b32.b16 v42, v41;
	[tilespmem:s26+$0x10] =	vst v3;
	v3 =	vunpack.i.u.s16.s32 v7  }
0x5a: {  	v48 =	vld.idx.msk [tilespmem:v0+s25+$0x20 ss:$0x1], $0xffff;
	v46 =	vunpack.i.l.s16.s32 v11;
	v47 =	vunpack.i.l.s16.s32 v36;
	[tilespmem:s27+$0x20] =	vst v4;
	v3 =	vpack.i.b32.b16 v44, v3  }
0x5b: {  	v49 =	vld.idx.msk [tilespmem:v1+s25+$0x20 ss:$0x1], $0xffff;
	v10 =	vunpack.i.u.s16.s32 v36;
	v4 =	vpack.i.b32.b16 v47, v46;
	[tilespmem:s26+$0x20] =	vst v3;
	v3 =	vunpack.i.u.s16.s32 v11  }
0x5c: {  	v52 =	vld.idx.msk [tilespmem:v0+s25+$0x30 ss:$0x1], $0xffff;
	v50 =	vunpack.i.l.s16.s32 v12;
	v51 =	vunpack.i.l.s16.s32 v40;
	[tilespmem:s27+$0x30] =	vst v4;
	v3 =	vpack.i.b32.b16 v10, v3  }
0x5d: {  	v53 =	vld.idx.msk [tilespmem:v1+s25+$0x30 ss:$0x1], $0xffff;
	v6 =	vunpack.i.u.s16.s32 v40;
	v4 =	vpack.i.b32.b16 v51, v50;
	[tilespmem:s26+$0x30] =	vst v3;
	v3 =	vunpack.i.u.s16.s32 v12  }
0x5e: {  	v54 =	vunpack.i.l.s16.s32 v43;
	v55 =	vunpack.i.l.s16.s32 v45;
	[tilespmem:v2+s23+$0x0 ss:$0x1] =	vst.idx.msk $0xffff, v4;
	v3 =	vpack.i.b32.b16 v6, v3  }
0x5f: {  	v56 =	vunpack.i.u.s16.s32 v43;
	v5 =	vunpack.i.u.s16.s32 v45;
	[tilespmem:v2+s24+$0x0 ss:$0x1] =	vst.idx.msk $0xffff, v3;
	v3 =	vpack.i.b32.b16 v55, v54  }
0x60: {  	p1 =	por p0, p0;
	v57 =	vunpack.i.l.s16.s32 v48;
	v58 =	vunpack.i.l.s16.s32 v49;
	[tilespmem:v2+s23+$0x10 ss:$0x1] =	vst.idx.msk $0xffff, v3;
	v3 =	vpack.i.b32.b16 v5, v56  }
.Ltmp3:
0x61: {  	v59 =	vunpack.i.u.s16.s32 v48;
	v60 =	vunpack.i.u.s16.s32 v49;
	[tilespmem:v2+s24+$0x10 ss:$0x1] =	vst.idx.msk $0xffff, v3;
	v3 =	vpack.i.b32.b16 v58, v57;
	(pc) =	sbr.rel @p1 .LBB1_4-.Ltmp3, $4  }
0x62: {  	v61 =	vunpack.i.l.s16.s32 v52;
	v62 =	vunpack.i.l.s16.s32 v53;
	[tilespmem:v2+s23+$0x20 ss:$0x1] =	vst.idx.msk $0xffff, v3;
	v3 =	vpack.i.b32.b16 v60, v59  }
0x63: {  	v63 =	vunpack.i.u.s16.s32 v53;
	v4 =	vpack.i.b32.b16 v62, v61;
	[tilespmem:v2+s24+$0x20 ss:$0x1] =	vst.idx.msk $0xffff, v3;
	v3 =	vunpack.i.u.s16.s32 v52  }
0x64: {  	[tilespmem:v2+s23+$0x30 ss:$0x1] =	vst.idx.msk $0xffff, v4;
	v3 =	vpack.i.b32.b16 v63, v3  }
0x65: {  	p0 =	por $0x0, $0x0;
	s23 =	simm.s32 $0x2;
	[tilespmem:v2+s24+$0x30 ss:$0x1] =	vst.idx.msk $0xffff, v3  }
0x66: {  	p0 =	slt.u32 s21, $0x1E  }
.Ltmp4:
0x67: {  	_ = 	snop;
	(pc) =	sbr.rel @p0 .LBB1_3-.Ltmp4, $3  }
0x68: {  	_ =	sdelay $0x1  }
0x69: {  	s22 =	sadd.s32 $0x2, s21  }
0x6a: {  	s21 =	smov.u32 s22  }
0x6b: {  	s21 =	sshrl.u32 s18, $0x3  }
0x6c: {  	s22 =	sshll.u32 s17, $0x3;
	s21 =	smul.u32 $0x4400, s21  }
0x6d: {  	s23 =	sshll.u32 s18, $0x7;
	s22 =	sand.u32 $0xFFFFFC00, s22  }
0x6e: {  	s31 =	sshll.u32 s17, $0x1;
	s30 =	sand.u32 $0x300, s23;
	s21 =	sadd.s32 s21, s22  }
0x6f: {  	s17 =	sand.u32 $0xFE, s31;
	s21 =	sor.u32 s30, s21  }
0x70: {  	s17 =	sor.u32 s17, s21  }
0x71: {  	s22 =	sand.u32 $0x1, s18;
	s21 =	smulhi.u32 $0xF0F0F0F1, s17  }
0x72: {  	s17 =	sor.u32 s22, s17  }
0x73: {  	s18 =	smulhi.u32 $0xF0F0F0F1, s17;
	s21 =	sshrl.u32 s21, $0xB  }
0x74: {  	s23 =	smulhi.u32 $0x1F81F9, s21;
	_ =	sdelay $0x1  }
0x75: {  	s18 =	sshrl.u32 s18, $0xB;
	s22 =	smul.u32 $0x820, s23  }
0x76: {  	s18 =	smul.u32 $0x880, s18  }
0x77: {  	s16 =	smul.u32 $0x45100, s16;
	s21 =	ssub.s32 s21, s22  }
0x78: {  	s17 =	ssub.s32 s17, s18;
	s24 =	smul.u32 $0x88, s21  }
0x79: {  	s25 =	sadd.s32 s5, s16;
	s26 =	sshll.u32 s17, $0x11  }
0x7a: {  	s17 =	sshrl.u32 s17, $0x4;
	s22 =	sand.u32 $0x1C0000, s26;
	s21 =	sadd.s32 s24, s25  }
0x7b: {  	s27 =	sadd.s32 s16, s8;
	s22 =	sor.u32 $0x200, s22;
	s21 =	sadd.s32 s17, s21  }
0x7c: {  	[hbm4b:s21+s22] =	stream.strided.scatter [tilespmem:s20], [sflag:$0x2], $0x800, s11, s22, $0x38;
	[tilespmem:$0x8000] =	vst v63  }
0x7d: {  	s20 =	sadd.s32 s24, s27  }
0x7e: {  	s28 =	sadd.s32 $0x4800, s19;
	s29 =	sadd.s32 s16, s9;
	s20 =	sadd.s32 s17, s20  }
0x7f: {  	[hbm4b:s20+s22] =	stream.strided.scatter [tilespmem:s28], [sflag:$0x2], $0x800, s11, s22, $0x38;
	[tilespmem:$0x8000] =	vst v63  }
.Ltmp5:
0x80: {  	s16 =	sadd.s32 s16, s10;
	s20 =	sadd.s32 s24, s29;
	(pc) =	sbr.rel .LBB1_7-.Ltmp5, $4  }
0x81: {  	s30 =	sadd.s32 $0x5000, s19;
	s16 =	sadd.s32 s24, s16;
	s20 =	sadd.s32 s17, s20  }
0x82: {  	[hbm4b:s20+s22] =	stream.strided.scatter [tilespmem:s30], [sflag:$0x2], $0x800, s11, s22, $0x38;
	[tilespmem:$0x8000] =	vst v63  }
0x83: {  	s31 =	sadd.s32 $0x5800, s19;
	s16 =	sadd.s32 s17, s16  }
0x84: {  	[hbm4b:s16+s22] =	stream.strided.scatter [tilespmem:s31], [sflag:$0x2], $0x800, s11, s22, $0x38;
	[tilespmem:$0x8000] =	vst v63  }
.LBB1_8:
0x85: {  	_ =	sfence.sel $0x180000  }
0x86: {  	s2 =	simm.s32 $0x1;
	[bflag:$0x0] =	sbarrier.arrive $0xFFFF  }
0x87: {  	s31 =	simm.s32 $0x2;
	[sflag:s2] =	ssyncpa.u1 $0x1  }
0x88: {  	[sflag:s31] =	ssyncpa.u1 $0x1  }
0x89: {  	p0 =	sne.s32 s0, $0x0;
	_ =	strace $0x90000047  }
0x8a: {  	s0 =	sadd.s32 @!p0 $0x100000, s1;
	[bflag:$0x2] =	sbarrier.arrive $0xFFFF  }
0x8b: {  	[sflag:s0] =	ssyncadd.tile.s32 @!p0 $0x1;
	_ =	shalt  }
.Lfunc_end1:
_tile_overlayer_lowered:
.L_overlay_start_2:
0x8c: {  	(tag) =	ssettag $0x2  }
0x8d: {  	s0 =	rddreg [dreg:$0x0];
	s2 =	stileid.u32  }
0x8e: {  	s1 =	rddreg [dreg:$0x1];
	p0 =	sne.s32 s2, $0x0  }
0x8f: {  	s3 =	rddreg [dreg:$0x2];
	[bflag:$0x3] =	sbarrier.arrive $0xFFFF;
	s2 =	simm.s32 @!p0 $0x1C01  }
0x90: {  	[timem:s3], [sflag:s2] =	dma.local @!p0 [hbm:s0], s1  }
0x91: {  	s0 =	simm.s32 @!p0 $0x1  }
0x92: {  	_ =	swait.ge @!p0 [sflag:s0], s1  }
0x93: {  	s1 =	ssub.s32 @!p0 $0x0, s1;
	[sflag:s0] =	ssyncset.done @!p0 $0x0  }
0x94: {  	[sflag:s0] =	ssyncadd.s32 @!p0 s1  }
0x95: {  	[bflag:$0x3] =	sbarrier.arrive $0xFFFF  }
0x96: {  	_ =	shalt  }

// kernel: sparse-core-data-format-call.cloned.1.call-start
scs
called_computation_lowered:
.L_overlay_start_0:
0x0: {  	s2 =	sld [smem:$0x3FD9]  }
0x1: {  	s3 =	sld [smem:$0x3FFE];
	_ =	sdelay $0x1  }
0x2: {  	s1 =	srdreg.scid  }
0x3: {  	s0 =	sand.u32 $0x1, s1  }
0x4: {  	s18 =	sshll.u32 s0, $0xA;
	s2 =	sadd.s32 s3, s2  }
0x5: {  	s2 =	sadd.s32 s2, s18  }
0x6: {  	[smem:$0x3FB6] =	sst s2  }
0x7: {  	_ = 	snop  }
0x8: {  	(tm) =	ssettm $0x1  }
0x9: {  	s19 =	sld [smem:$0x3FFB];
	_ =	sdelay $0x3  }
0xa: {  	_ =	strace s19  }
0xb: {  	s2 =	sld [smem:$0x3FFC];
	_ =	sdelay $0x3  }
0xc: {  	_ =	strace s2  }
0xd: {  	s2 =	sld [smem:$0x3FFD];
	_ =	sdelay $0x3  }
0xe: {  	_ =	strace s2  }
0xf: {  	_ =	strace $0x8FFFFFFF  }
0x10: {  	s20 =	sld [smem:$0x3FDB];
	_ =	sdelay $0x1  }
0x11: {  	s21 =	simm.s32 $_scs_section_size  }
0x12: {  	s4 =	simm.s32 $_size__tile_overlayer_lowered;
	s5 =	simm.s32 $_tile_overlayer_lowered  }
0x13: {  	s6 =	simm.s32 $0x1BFF;
	s22 =	sshll.u32 s5, $0x1;
	s3 =	sadd.s32 s21, s20  }
0x14: {  	s23 =	simm.s32 $0x0;
	s4 =	sshll.u32 s4, $0x1;
	s5 =	sadd.s32 s22, s3  }
0x15: {  	[timem:s23], [sflag:s6] =	dma.local [hbm:s5], s4  }
0x16: {  	_ =	swait.ge [sflag:s6], s4  }
0x17: {  	s4 =	ssub.s32 $0x0, s4;
	[sflag:s6] =	ssyncset.done $0x0  }
0x18: {  	[sflag:s6] =	ssyncadd.s32 s4;
	_ =	sdelay $0x1  }
0x19: {  	s24 =	simm.s32 $0x1B8B  }
0x1a: {  	_ =	swait.ge [sflag:s24], $0x1  }
0x1b: {  	[sflag:s24] =	ssyncset.done $0x0  }
0x1c: {  	[sflag:s24] =	ssyncadd.s32 $0xFFFFFFFF  }
0x1d: {  	s4 =	sld [smem:$0x0]  }
0x1e: {  	s5 =	sand.u32 $0xFFFFFFFE, s1  }
0x1f: {  	p0 =	sne.s32 s1, s5  }
0x20: {  	s5 =	sshll.u32 @p0 s5, $0xE  }
0x21: {  	s5 =	sadd.s32 @p0 $0x11B8D, s5;
	s6 =	sshll.u32 @p0 s4, $0x11  }
0x22: {  	s5 =	sor.u32 @p0 s6, s5  }
0x23: {  	[sflag:s5] =	ssyncadd.remote.s32 @p0 $0x1;
	_ =	sdelay $0x1  }
0x24: {  	s5 =	simm.s32 @p0 $0x1B8D  }
0x25: {  	_ =	swait.eq @p0 [sflag:s5], $0x1  }
0x26: {  	[sflag:s5] =	ssyncadd.s32 @p0 $0xFFFFFFFF  }
0x27: {  	s6 =	sshll.u32 @!p0 s1, $0xE  }
0x28: {  	s6 =	sor.u32 @!p0 $0x4000, s6;
	s5 =	simm.s32 @!p0 $0x1B8D  }
0x29: {  	s4 =	sshll.u32 @!p0 s4, $0x11;
	s6 =	sadd.s32 @!p0 $0x11B8D, s6;
	_ =	swait.eq @!p0 [sflag:s5], $0x1  }
0x2a: {  	s4 =	sor.u32 @!p0 s4, s6;
	[sflag:s5] =	ssyncadd.s32 @!p0 $0xFFFFFFFF  }
0x2b: {  	s26 =	simm.s32 $0x1B8E;
	s25 =	sld [smem:$0x3FFE];
	[sflag:s4] =	ssyncadd.remote.s32 @!p0 $0x1  }
0x2c: {  	s27 =	simm.s32 $execute0_lowered;
	[smem:$0x3FD2] =	sst s26  }
0x2d: {  	s5 =	sshll.u32 s27, $0x1;
	_ =	strace $0x80000049;
	[dreg:$0x1] =	wrdreg $0xFFFFFFFF  }
0x2e: {  	s28 =	simm.s32 $_size_execute0_lowered;
	s3 =	sadd.s32 s3, s5;
	[dreg:$0x0] =	wrdreg $0x0  }
0x2f: {  	s5 =	sshll.u32 s28, $0x1;
	[dreg:$0x2] =	wrdreg s3  }
0x30: {  	[dreg:$0x3] =	wrdreg s5  }
0x31: {  	[dreg:$0x4] =	wrdreg $0xC0  }
0x32: {  	_ =	task [dreg:s23], $0x5FFFF  }
0x33: {  	[dreg:$0x1] =	wrdreg $0xFFFFFFFF  }
0x34: {  	[dreg:$0x0] =	wrdreg $0x60  }
0x35: {  	[dreg:$0x2] =	wrdreg s25  }
0x36: {  	[dreg:$0x3] =	wrdreg $0x9  }
0x37: {  	_ =	task.clear_ibuf [dreg:s23], $0x4FFFF;
	_ =	strace $0x90000049  }
0x38: {  	s29 =	simm.s32 $0x9;
	_ =	strace $0x8000004B  }
0x39: {  	_ =	swait.ge [sflag:s29], $0x1  }
0x3a: {  	[sflag:s29] =	ssyncadd.s32 $0xFFFFFFFF  }
0x3b: {  	_ =	strace $0x9000004B  }
0x3c: {  	_ =	sfence  }
0x3d: {  	s30 =	sld [smem:$0x0];
	_ =	sdelay $0x2  }
0x3e: {  	s31 =	sshll.u32 s1, $0xD;
	s1 =	sshrl.u32 s1, $0x2  }
0x3f: {  	s4 =	sand.u32 $0x4000, s31;
	s1 =	sadd.s32 s1, s30  }
0x40: {  	s0 =	sor.u32 s4, s0;
	s1 =	sshll.u32 s1, $0x11  }
0x41: {  	s0 =	sor.u32 s1, s0  }
0x42: {  	s0 =	sadd.s32 $0x8F2B, s0  }
0x43: {  	[sflag:s0] =	ssyncadd.remote.s32 $0x1  }
0x44: {  	_ =	sfence.sel $0xFFFF  }
0x45: {  	[dreg:$0x0] =	wrdreg $0xFFFFFFFF;
	(pc) =	sbr.abs _section_cstart, $3  }
0x46: {  	[dreg:$0x1] =	wrdreg $0xFFFFFFFF  }
0x47: {  	_ =	task.clear_ibuf [dreg:s23], $0x2FFFF;
	_ =	strace $0x9FFFFFFF  }
0x48: {  	(tm) =	ssettm $0x7FFFFFFF  }
0x49: {  	_ =	shalt  }
tec
execute0_lowered:
.L_overlay_start_1:
0x0: {  	(tag) =	ssettag $0x1  }
0x1: {  	s0 =	srdreg.scid;
	s10 =	rddreg [dreg:$0x0]  }
0x2: {  	s3 =	simm.s32 $0x1;
	s6 =	simm.s32 $0x2;
	s17 =	simm.s32 $0x0  }
0x3: {  	s11 =	simm.s32 $0x2200;
	s16 =	simm.s32 $0x0;
	s1 =	sshll.u32 s0, $0x4  }
0x4: {  	s18 =	simm.s32 $0x0;
	s0 =	stileid.u32;
	s1 =	sand.u32 $0x10, s1  }
0x5: {  	s12 =	simm.s32 $0x0;
	s13 =	simm.s32 $0x0;
	s1 =	sor.u32 s0, s1  }
0x6: {  	s15 =	simm.s32 $0x0;
	s5 =	sadd.s32 $0x33F400, s10;
	s2 =	sshll.u32 s1, $0x5  }
.Ltmp0:
0x7: {  	s8 =	sadd.s32 $0x384500, s10;
	s4 =	ssub.s32 $0x800, s2;
	(pc) =	sbr.rel .LBB1_1-.Ltmp0, $4  }
0x8: {  	s1 =	rddreg [dreg:$0x1];
	_ =	strace $0x8000004A;
	s4 =	sshrl.u32 s4, $0xA  }
0x9: {  	s9 =	sadd.s32 $0x3C9600, s10;
	[sflag:s3] =	ssyncpa.u1 $0x0;
	s7 =	smul.u32 $0x11, s4  }
0xa: {  	s14 =	smov.u32 s2;
	[sflag:s6] =	ssyncpa.u1 $0x0;
	s4 =	sadd.s32 $0x22B800, s10  }
0xb: {  	s10 =	sadd.s32 $0x40E700, s10;
	s6 =	sadd.s32 $0x11, s7;
	s7 =	sadd.s32 $0x12, s7  }
.LBB1_7:
0xc: {  	s19 =	sadd.s32 $0x80, s12  }
0xd: {  	s16 =	sadd.s32 $0x4, s13;
	s20 =	smov.u32 s13;
	p1 =	sgt.s32 s19, $0x81B  }
0xe: {  	s20 =	smov.u32 @p1 s16  }
0xf: {  	s22 =	smov.u32 s14;
	s16 =	sadd.s32 $0x400, s14;
	p2 =	sgt.s32 s20, $0x3  }
0x10: {  	s22 =	smov.u32 @p2 s16  }
0x11: {  	s19 =	simm.s32 @p1 $0x0;
	p1 =	sgt.s32 s22, $0x81B  }
0x12: {  	p0 =	slt.u32 s15, $0x2;
	s22 =	smov.u32 @p1 s2;
	p1 =	sne.s32 s15, s7  }
.Ltmp1:
0x13: {  	s21 =	simm.s32 @!p0 $0x2;
	(pc) =	sbr.rel @!p1 .LBB1_8-.Ltmp1, $4  }
0x14: {  	s17 =	smov.u32 s12;
	_ =	swait.ge @!p0 [sflag:s21], $0x2000  }
0x15: {  	s18 =	smov.u32 s14;
	[sflag:s21] =	ssyncset.done @!p0 $0x0;
	s12 =	smov.u32 s19  }
0x16: {  	s20 =	simm.s32 @p2 $0x0;
	s16 =	smov.u32 s13;
	[sflag:s21] =	ssyncadd.s32 @!p0 $0xFFFFE000  }
0x17: {  	s13 =	smov.u32 s20;
	s15 =	sadd.s32 $0x1, s15;
	s14 =	smov.u32 s22  }
.LBB1_1:
0x18: {  	p0 =	sge.u32 s15, s6;
	s23 =	smov.u32 s12  }
0x19: {  	s19 =	sshrl.u32 @!p0 s13, $0x2;
	s20 =	sshll.u32 @!p0 s12, $0x2;
	s21 =	sshll.u32 @!p0 s13, $0x7  }
0x1a: {  	p1 =	sgt.s32 @!p0 s14, $0x7FC;
	s22 =	sshra.s32 @!p0 s14, $0x1F;
	s19 =	smul.u32 @!p0 $0x2200, s19  }
0x1b: {  	s24 =	sshra.s32 @!p0 s12, $0x1F;
	s20 =	sand.u32 @!p0 $0xFFFFFE00, s20;
	p1 =	por !p1, p0  }
0x1c: {  	s19 =	sadd.s32 @!p0 s19, s20;
	s20 =	sand.u32 @!p0 $0x100, s21;
	s21 =	sshll.u32 @!p0 s12, $0x1  }
0x1d: {  	s22 =	sand.u32 @!p0 s22, s14;
	s19 =	sor.u32 @!p0 s20, s19;
	s20 =	sand.u32 @!p0 $0xFE, s21  }
0x1e: {  	s21 =	sand.u32 @!p0 $0x1, s13;
	s19 =	sor.u32 @!p0 s20, s19;
	s20 =	smov.u32 s14  }
0x1f: {  	s20 =	simm.s32 @p1 $0x7FC;
	p1 =	sgt.s32 @!p0 s12, $0x800;
	s21 =	sor.u32 @!p0 s21, s19  }
0x20: {  	s19 =	smulhi.u32 @!p0 $0xF0F0F0F1, s19;
	p1 =	por !p1, p0;
	s20 =	ssub.s32 @!p0 s20, s22  }
0x21: {  	s22 =	sand.u32 @!p0 s24, s12;
	s23 =	simm.s32 @p1 $0x800;
	s24 =	sadd.s32 @!p0 $0xFFFFF804, s20  }
0x22: {  	s20 =	ssub.s32 @!p0 $0x81C, s20;
	s19 =	sshrl.u32 @!p0 s19, $0xB;
	s22 =	ssub.s32 @!p0 s23, s22  }
0x23: {  	p1 =	sgt.s32 @!p0 s24, $0x1F;
	s23 =	ssub.s32 @!p0 $0x0, s13;
	s19 =	sand.u32 @!p0 $0x3, s19  }
0x24: {  	s24 =	sadd.s32 @!p0 $0xFFFFF800, s22;
	s23 =	smin.u32 @!p0 s13, s23;
	p1 =	por !p1, p0  }
0x25: {  	p2 =	sgt.s32 @!p0 s24, $0x7F;
	s24 =	smulhi.u32 @!p0 $0xF0F0F0F1, s21;
	p3 =	sgt.s32 @!p0 s23, $0x3  }
0x26: {  	s20 =	simm.s32 @!p1 $0x0;
	s23 =	ssub.s32 @!p0 $0x4, s23;
	p1 =	por !p3, p0  }
0x27: {  	s22 =	ssub.s32 @!p0 $0x880, s22;
	s19 =	smul.u32 @!p0 $0x88, s19;
	s23 =	simm.s32 @!p1 $0x0  }
0x28: {  	s24 =	sshrl.u32 @!p0 s24, $0xB;
	p1 =	por !p2, p0;
	s20 =	smul.u32 @!p0 s23, s20  }
0x29: {  	s23 =	smul.u32 @!p0 $0x880, s24;
	s22 =	simm.s32 @!p1 $0x0  }
0x2a: {  	s20 =	smul.u32 @!p0 s22, s20  }
0x2b: {  	s24 =	sxor.u32 @!p0 $0xFFFFFFFF, s15;
	s22 =	smul.u32 @!p0 $0x220, s14;
	s21 =	ssub.s32 @!p0 s21, s23  }
0x2c: {  	s23 =	sshrl.u32 @!p0 s21, $0x4;
	s21 =	sshll.u32 @!p0 s21, $0x11;
	s20 =	sshrl.u32 @!p0 s20, $0x1  }
0x2d: {  	s22 =	sadd.s32 @!p0 s4, s22;
	s21 =	sand.u32 @!p0 $0x1C0000, s21;
	s20 =	sand.u32 @!p0 $0x3FFFFFFF, s20  }
0x2e: {  	s19 =	sadd.s32 @!p0 s19, s22;
	s22 =	sshll.u32 @!p0 s24, $0xD;
	s21 =	sor.u32 @!p0 $0x100, s21  }
0x2f: {  	s19 =	sadd.s32 @!p0 s23, s19;
	s22 =	sand.u32 @!p0 $0x2000, s22;
	s23 =	simm.s32 @!p0 $0x1100  }
0x30: {  	[tilespmem:s22], [sflag:$0x1] =	stream.strided.gather @!p0 [hbm4b:s19+s21], s20, s23, s21, $0x38;
	[tilespmem:$0x8000] =	vst v63  }
0x31: {  	p0 =	seq.s32 s15, $0x0  }
0x32: {  	p1 =	sge.u32 @!p0 s15, s7  }
0x33: {  	p0 =	por p0, p1  }
.Ltmp2:
0x34: {  	_ = 	snop;
	(pc) =	sbr.rel @p0 .LBB1_7-.Ltmp2, $1  }
0x35: {  	_ =	sdelay $0x3  }
0x36: {  	p0 =	sgt.s32 s18, $0x7FC  }
0x37: {  	s19 =	smov.u32 s18;
	s20 =	sshra.s32 s18, $0x1F;
	s29 =	ssub.s32 $0x0, s16  }
0x38: {  	p1 =	sgt.s32 s17, $0x800;
	s19 =	simm.s32 @!p0 $0x7FC;
	s20 =	sand.u32 s20, s18  }
0x39: {  	s21 =	smov.u32 s17;
	s22 =	sshra.s32 s17, $0x1F;
	s19 =	ssub.s32 s19, s20  }
0x3a: {  	s21 =	simm.s32 @!p1 $0x800;
	s22 =	sand.u32 s22, s17;
	s20 =	sadd.s32 $0xFFFFF804, s19  }
0x3b: {  	s21 =	ssub.s32 s21, s22;
	p0 =	sgt.s32 s20, $0x1F;
	s20 =	smin.u32 s16, s29  }
0x3c: {  	s19 =	ssub.s32 $0x81C, s19;
	p1 =	sgt.s32 s20, $0x3;
	s20 =	ssub.s32 $0x4, s20  }
0x3d: {  	s22 =	sadd.s32 $0xFFFFF800, s21;
	s19 =	simm.s32 @p0 $0x0;
	s20 =	simm.s32 @p1 $0x0  }
0x3e: {  	p0 =	sgt.s32 s22, $0x7F;
	s19 =	smul.u32 s20, s19;
	s20 =	ssub.s32 $0x880, s21  }
0x3f: {  	s20 =	simm.s32 @p0 $0x0  }
0x40: {  	s19 =	smul.u32 s20, s19;
	_ =	sdelay $0x1  }
0x41: {  	s19 =	sshrl.u32 s19, $0x1  }
0x42: {  	s19 =	sand.u32 $0x3FFFFFFF, s19  }
0x43: {  	s30 =	sshll.u32 s15, $0xD;
	_ =	swait.ge [sflag:s3], s19  }
0x44: {  	s31 =	ssub.s32 $0x0, s19;
	s19 =	sand.u32 $0x2000, s30;
	[sflag:s3] =	ssyncset.done $0x0  }
0x45: {  	s21 =	simm.s32 $0x0;
	s20 =	sor.u32 $0x4000, s19;
	[sflag:s3] =	ssyncadd.s32 s31  }
.LBB1_3:
0x46: {  	s22 =	sshll.u32 s21, $0x8  }
0x47: {  	s23 =	sand.u32 $0x3FFFFF00, s22  }
0x48: {  	s23 =	sadd.s32 s23, s19  }
0x49: {  	s22 =	sshll.u32 s21, $0x7;
	s25 =	sadd.s32 $0x100, s23;
	v0 =	vmov s23  }
0x4a: {  	s24 =	sor.u32 $0x80, s22;
	v1 =	vmov s25  }
0x4b: {  	s24 =	sshrl.u32 s24, $0x1  }
0x4c: {  	p0 =	por $0x1, $0x1;
	s23 =	simm.s32 $0x0;
	v2 =	vmov s24  }
.LBB1_4:
0x4d: {  	s25 =	sshll.u32 s23, $0x6  }
0x4e: {  	v3 =	vld.idx.msk [tilespmem:v0+s25+$0x0 ss:$0x1], $0xffff  }
0x4f: {  	v4 =	vld.idx.msk [tilespmem:v1+s25+$0x0 ss:$0x1], $0xffff  }
0x50: {  	v5 =	vld.idx.msk [tilespmem:v0+s25+$0x10 ss:$0x1], $0xffff  }
0x51: {  	v6 =	vld.idx.msk [tilespmem:v1+s25+$0x10 ss:$0x1], $0xffff  }
0x52: {  	s31 =	sshll.u32 s23, $0xB;
	v7 =	vld.idx.msk [tilespmem:v0+s25+$0x20 ss:$0x1], $0xffff  }
0x53: {  	s23 =	sand.u32 $0x3FFFF800, s31;
	v8 =	vld.idx.msk [tilespmem:v1+s25+$0x20 ss:$0x1], $0xffff  }
0x54: {  	s26 =	sshrl.u32 s22, $0x1;
	v11 =	vld.idx.msk [tilespmem:v0+s25+$0x30 ss:$0x1], $0xffff;
	s23 =	sadd.s32 s23, s20;
	v9 =	vunpack.i.l.s16.s32 v3;
	v10 =	vunpack.i.l.s16.s32 v4  }
0x55: {  	v36 =	vld.idx.msk [tilespmem:v1+s25+$0x30 ss:$0x1], $0xffff;
	s25 =	sor.u32 $0x40, s25;
	s27 =	sadd.s32 s26, s23;
	s24 =	sadd.s32 $0x800, s23;
	v3 =	vunpack.i.u.s16.s32 v3;
	v4 =	vunpack.i.u.s16.s32 v4;
	v9 =	vpack.i.b32.b16 v10, v9  }
0x56: {  	v12 =	vld.idx.msk [tilespmem:v0+s25+$0x0 ss:$0x1], $0xffff;
	s26 =	sadd.s32 s26, s24;
	v37 =	vunpack.i.l.s16.s32 v5;
	v38 =	vunpack.i.l.s16.s32 v6;
	v3 =	vpack.i.b32.b16 v4, v3;
	[tilespmem:s27+$0x0] =	vst v9  }
0x57: {  	v40 =	vld.idx.msk [tilespmem:v1+s25+$0x0 ss:$0x1], $0xffff;
	v39 =	vunpack.i.u.s16.s32 v6;
	v4 =	vpack.i.b32.b16 v38, v37;
	[tilespmem:s26+$0x0] =	vst v3;
	v3 =	vunpack.i.u.s16.s32 v5  }
0x58: {  	v43 =	vld.idx.msk [tilespmem:v0+s25+$0x10 ss:$0x1], $0xffff;
	v41 =	vunpack.i.l.s16.s32 v7;
	v42 =	vunpack.i.l.s16.s32 v8;
	[tilespmem:s27+$0x10] =	vst v4;
	v3 =	vpack.i.b32.b16 v39, v3  }
0x59: {  	v45 =	vld.idx.msk [tilespmem:v1+s25+$0x10 ss:$0x1], $0xffff;
	v44 =	vunpack.i.u.s16.s32 v8;
	v4 =	vpack.i.b32.b16 v42, v41;
	[tilespmem:s26+$0x10] =	vst v3;
	v3 =	vunpack.i.u.s16.s32 v7  }
0x5a: {  	v48 =	vld.idx.msk [tilespmem:v0+s25+$0x20 ss:$0x1], $0xffff;
	v46 =	vunpack.i.l.s16.s32 v11;
	v47 =	vunpack.i.l.s16.s32 v36;
	[tilespmem:s27+$0x20] =	vst v4;
	v3 =	vpack.i.b32.b16 v44, v3  }
0x5b: {  	v49 =	vld.idx.msk [tilespmem:v1+s25+$0x20 ss:$0x1], $0xffff;
	v10 =	vunpack.i.u.s16.s32 v36;
	v4 =	vpack.i.b32.b16 v47, v46;
	[tilespmem:s26+$0x20] =	vst v3;
	v3 =	vunpack.i.u.s16.s32 v11  }
0x5c: {  	v52 =	vld.idx.msk [tilespmem:v0+s25+$0x30 ss:$0x1], $0xffff;
	v50 =	vunpack.i.l.s16.s32 v12;
	v51 =	vunpack.i.l.s16.s32 v40;
	[tilespmem:s27+$0x30] =	vst v4;
	v3 =	vpack.i.b32.b16 v10, v3  }
0x5d: {  	v53 =	vld.idx.msk [tilespmem:v1+s25+$0x30 ss:$0x1], $0xffff;
	v6 =	vunpack.i.u.s16.s32 v40;
	v4 =	vpack.i.b32.b16 v51, v50;
	[tilespmem:s26+$0x30] =	vst v3;
	v3 =	vunpack.i.u.s16.s32 v12  }
0x5e: {  	v54 =	vunpack.i.l.s16.s32 v43;
	v55 =	vunpack.i.l.s16.s32 v45;
	[tilespmem:v2+s23+$0x0 ss:$0x1] =	vst.idx.msk $0xffff, v4;
	v3 =	vpack.i.b32.b16 v6, v3  }
0x5f: {  	v56 =	vunpack.i.u.s16.s32 v43;
	v5 =	vunpack.i.u.s16.s32 v45;
	[tilespmem:v2+s24+$0x0 ss:$0x1] =	vst.idx.msk $0xffff, v3;
	v3 =	vpack.i.b32.b16 v55, v54  }
0x60: {  	p1 =	por p0, p0;
	v57 =	vunpack.i.l.s16.s32 v48;
	v58 =	vunpack.i.l.s16.s32 v49;
	[tilespmem:v2+s23+$0x10 ss:$0x1] =	vst.idx.msk $0xffff, v3;
	v3 =	vpack.i.b32.b16 v5, v56  }
.Ltmp3:
0x61: {  	v59 =	vunpack.i.u.s16.s32 v48;
	v60 =	vunpack.i.u.s16.s32 v49;
	[tilespmem:v2+s24+$0x10 ss:$0x1] =	vst.idx.msk $0xffff, v3;
	v3 =	vpack.i.b32.b16 v58, v57;
	(pc) =	sbr.rel @p1 .LBB1_4-.Ltmp3, $4  }
0x62: {  	v61 =	vunpack.i.l.s16.s32 v52;
	v62 =	vunpack.i.l.s16.s32 v53;
	[tilespmem:v2+s23+$0x20 ss:$0x1] =	vst.idx.msk $0xffff, v3;
	v3 =	vpack.i.b32.b16 v60, v59  }
0x63: {  	v63 =	vunpack.i.u.s16.s32 v53;
	v4 =	vpack.i.b32.b16 v62, v61;
	[tilespmem:v2+s24+$0x20 ss:$0x1] =	vst.idx.msk $0xffff, v3;
	v3 =	vunpack.i.u.s16.s32 v52  }
0x64: {  	[tilespmem:v2+s23+$0x30 ss:$0x1] =	vst.idx.msk $0xffff, v4;
	v3 =	vpack.i.b32.b16 v63, v3  }
0x65: {  	p0 =	por $0x0, $0x0;
	s23 =	simm.s32 $0x2;
	[tilespmem:v2+s24+$0x30 ss:$0x1] =	vst.idx.msk $0xffff, v3  }
0x66: {  	p0 =	slt.u32 s21, $0x1E  }
.Ltmp4:
0x67: {  	_ = 	snop;
	(pc) =	sbr.rel @p0 .LBB1_3-.Ltmp4, $3  }
0x68: {  	_ =	sdelay $0x1  }
0x69: {  	s22 =	sadd.s32 $0x2, s21  }
0x6a: {  	s21 =	smov.u32 s22  }
0x6b: {  	s21 =	sshrl.u32 s18, $0x3  }
0x6c: {  	s22 =	sshll.u32 s17, $0x3;
	s21 =	smul.u32 $0x4400, s21  }
0x6d: {  	s23 =	sshll.u32 s18, $0x7;
	s22 =	sand.u32 $0xFFFFFC00, s22  }
0x6e: {  	s31 =	sshll.u32 s17, $0x1;
	s30 =	sand.u32 $0x300, s23;
	s21 =	sadd.s32 s21, s22  }
0x6f: {  	s17 =	sand.u32 $0xFE, s31;
	s21 =	sor.u32 s30, s21  }
0x70: {  	s17 =	sor.u32 s17, s21  }
0x71: {  	s22 =	sand.u32 $0x1, s18;
	s21 =	smulhi.u32 $0xF0F0F0F1, s17  }
0x72: {  	s17 =	sor.u32 s22, s17  }
0x73: {  	s18 =	smulhi.u32 $0xF0F0F0F1, s17;
	s21 =	sshrl.u32 s21, $0xB  }
0x74: {  	s23 =	smulhi.u32 $0x1F81F9, s21;
	_ =	sdelay $0x1  }
0x75: {  	s18 =	sshrl.u32 s18, $0xB;
	s22 =	smul.u32 $0x820, s23  }
0x76: {  	s18 =	smul.u32 $0x880, s18  }
0x77: {  	s16 =	smul.u32 $0x45100, s16;
	s21 =	ssub.s32 s21, s22  }
0x78: {  	s17 =	ssub.s32 s17, s18;
	s24 =	smul.u32 $0x88, s21  }
0x79: {  	s25 =	sadd.s32 s5, s16;
	s26 =	sshll.u32 s17, $0x11  }
0x7a: {  	s17 =	sshrl.u32 s17, $0x4;
	s22 =	sand.u32 $0x1C0000, s26;
	s21 =	sadd.s32 s24, s25  }
0x7b: {  	s27 =	sadd.s32 s16, s8;
	s22 =	sor.u32 $0x200, s22;
	s21 =	sadd.s32 s17, s21  }
0x7c: {  	[hbm4b:s21+s22] =	stream.strided.scatter [tilespmem:s20], [sflag:$0x2], $0x800, s11, s22, $0x38;
	[tilespmem:$0x8000] =	vst v63  }
0x7d: {  	s20 =	sadd.s32 s24, s27  }
0x7e: {  	s28 =	sadd.s32 $0x4800, s19;
	s29 =	sadd.s32 s16, s9;
	s20 =	sadd.s32 s17, s20  }
0x7f: {  	[hbm4b:s20+s22] =	stream.strided.scatter [tilespmem:s28], [sflag:$0x2], $0x800, s11, s22, $0x38;
	[tilespmem:$0x8000] =	vst v63  }
.Ltmp5:
0x80: {  	s16 =	sadd.s32 s16, s10;
	s20 =	sadd.s32 s24, s29;
	(pc) =	sbr.rel .LBB1_7-.Ltmp5, $4  }
0x81: {  	s30 =	sadd.s32 $0x5000, s19;
	s16 =	sadd.s32 s24, s16;
	s20 =	sadd.s32 s17, s20  }
0x82: {  	[hbm4b:s20+s22] =	stream.strided.scatter [tilespmem:s30], [sflag:$0x2], $0x800, s11, s22, $0x38;
	[tilespmem:$0x8000] =	vst v63  }
0x83: {  	s31 =	sadd.s32 $0x5800, s19;
	s16 =	sadd.s32 s17, s16  }
0x84: {  	[hbm4b:s16+s22] =	stream.strided.scatter [tilespmem:s31], [sflag:$0x2], $0x800, s11, s22, $0x38;
	[tilespmem:$0x8000] =	vst v63  }
.LBB1_8:
0x85: {  	_ =	sfence.sel $0x180000  }
0x86: {  	s2 =	simm.s32 $0x1;
	[bflag:$0x0] =	sbarrier.arrive $0xFFFF  }
0x87: {  	s31 =	simm.s32 $0x2;
	[sflag:s2] =	ssyncpa.u1 $0x1  }
0x88: {  	[sflag:s31] =	ssyncpa.u1 $0x1  }
0x89: {  	p0 =	sne.s32 s0, $0x0;
	_ =	strace $0x9000004A  }
0x8a: {  	s0 =	sadd.s32 @!p0 $0x100000, s1;
	[bflag:$0x2] =	sbarrier.arrive $0xFFFF  }
0x8b: {  	[sflag:s0] =	ssyncadd.tile.s32 @!p0 $0x1;
	_ =	shalt  }
.Lfunc_end1:
_tile_overlayer_lowered:
.L_overlay_start_2:
0x8c: {  	(tag) =	ssettag $0x2  }
0x8d: {  	s0 =	rddreg [dreg:$0x0];
	s2 =	stileid.u32  }
0x8e: {  	s1 =	rddreg [dreg:$0x1];
	p0 =	sne.s32 s2, $0x0  }
0x8f: {  	s3 =	rddreg [dreg:$0x2];
	[bflag:$0x3] =	sbarrier.arrive $0xFFFF;
	s2 =	simm.s32 @!p0 $0x1C01  }
0x90: {  	[timem:s3], [sflag:s2] =	dma.local @!p0 [hbm:s0], s1  }
0x91: {  	s0 =	simm.s32 @!p0 $0x1  }
0x92: {  	_ =	swait.ge @!p0 [sflag:s0], s1  }
0x93: {  	s1 =	ssub.s32 @!p0 $0x0, s1;
	[sflag:s0] =	ssyncset.done @!p0 $0x0  }
0x94: {  	[sflag:s0] =	ssyncadd.s32 @!p0 s1  }
0x95: {  	[bflag:$0x3] =	sbarrier.arrive $0xFFFF  }
0x96: {  	_ =	shalt  }

</sc_bundles>
